<compile_context>
chip_gen: v7x
topology: tpu7x:2x2x1
jax: 0.10.2.dev20260603
libtpu: 0.0.44.dev20260713+nightly
codegen_flags: <defaults>
</compile_context>

<pallas_src>
import functools

import jax
import jax.numpy as jnp
from jax import lax
from jax.experimental import pallas as pl
from jax.experimental.pallas import tpu as pltpu

_B = 8
_HP = 16
_PP = _HP * _HP
_C = 256


def _mask_head_kernel(x_ref, wc_ref, wtc_ref, w5b_ref, bias_ref, out_ref):
    bn = x_ref.shape[1]
    pi = lax.broadcasted_iota(jnp.int32, (1, bn), 1)
    local = pi & (_PP - 1)
    h = local >> 4
    w = local & (_HP - 1)
    interior = (h >= 1) & (h <= 14) & (w >= 1) & (w <= 14)

    dot = functools.partial(jnp.dot, preferred_element_type=jnp.float32)

    x = x_ref[...].astype(jnp.bfloat16)
    for l in range(4):
        shifted = {-1: pltpu.roll(x, 1, 1), 0: x, 1: pltpu.roll(x, bn - 1, 1)}
        acc = None
        for r in (-1, 0, 1):
            p = None
            for c in (-1, 0, 1):
                t = (r + 1) * 3 + (c + 1)
                term = dot(wc_ref[l, t], shifted[c])
                p = term if p is None else p + term
            if r != 0:
                p = pltpu.roll(p, (-16 * r) % bn, 1)
            acc = p if acc is None else acc + p
        y = acc + bias_ref[0:_C, l : l + 1]
        x = jnp.where(interior, jnp.maximum(y, 0.0), 0.0).astype(jnp.bfloat16)

    z = jnp.maximum(dot(wtc_ref[...], x) + bias_ref[:, 4:5], 0.0)
    out = jax.nn.sigmoid(
        dot(w5b_ref[...], z.astype(jnp.bfloat16)) + bias_ref[0:16, 5:6]
    )
    out_ref[...] = out


def kernel(features, w1, b1, w2, b2, w3, b3, w4, b4, wt, bt, w5, b5):
    n = features.shape[0]
    b = _B
    npad = -n % b
    bn = b * _PP

    x4 = features.reshape(n, _C, 14, 14)
    xpad = jnp.pad(x4, ((0, npad), (0, 0), (1, 1), (1, 1)))
    ng = n + npad
    xcols = jnp.transpose(xpad.reshape(ng, _C, _PP), (1, 0, 2)).reshape(_C, ng * _PP)

    wc = jnp.stack(
        [jnp.transpose(wl, (2, 3, 0, 1)).reshape(9, _C, _C) for wl in (w1, w2, w3, w4)]
    ).astype(jnp.bfloat16)
    wtc = jnp.transpose(wt, (2, 3, 1, 0)).reshape(4 * _C, _C).astype(jnp.bfloat16)
    w5m = w5[:, :, 0, 0]
    w5b = jnp.kron(jnp.eye(4, dtype=w5m.dtype), w5m)
    w5b = jnp.pad(w5b, ((0, 4), (0, 0))).astype(jnp.bfloat16)

    bias = jnp.zeros((4 * _C, 8), dtype=jnp.float32)
    bias = bias.at[0:_C, 0:4].set(jnp.stack([b1, b2, b3, b4], axis=1))
    bias = bias.at[:, 4].set(jnp.tile(bt, 4))
    bias = bias.at[0:12, 5].set(jnp.tile(b5, 4))

    out = pl.pallas_call(
        _mask_head_kernel,
        grid=(ng // b,),
        in_specs=[
            pl.BlockSpec((_C, bn), lambda i: (0, i)),
            pl.BlockSpec((4, 9, _C, _C), lambda i: (0, 0, 0, 0)),
            pl.BlockSpec((4 * _C, _C), lambda i: (0, 0)),
            pl.BlockSpec((16, 4 * _C), lambda i: (0, 0)),
            pl.BlockSpec((4 * _C, 8), lambda i: (0, 0)),
        ],
        out_specs=pl.BlockSpec((16, bn), lambda i: (0, i)),
        out_shape=jax.ShapeDtypeStruct((16, ng * _PP), jnp.float32),
        compiler_params=pltpu.CompilerParams(
            dimension_semantics=("parallel",),
        ),
    )(xcols, wc, wtc, w5b, bias)

    m = out[0:12].reshape(2, 2, 3, ng, _HP, _HP)[:, :, :, :n, 1:15, 1:15]
    return m.transpose(3, 2, 4, 0, 5, 1).reshape(n, 3, 28, 28)

# --- scband reference (transcript-rebuilt; emitter-appended) ---
"""Pipeline reference for scband-mask-head-69844758167979 (READ-ONLY COPY).

The authoritative reference and input builder live on the scoring server;
editing this copy changes nothing except your own understanding.
"""

import jax, jax.numpy as jnp
import numpy as np
from jax import lax

N_ROIS = 200
C_CLASSES = 3
P = 14


def setup_inputs(seed: int = 0) -> dict:
    key = jax.random.key(seed)
    ks = jax.random.split(key, 16)
    features = jax.random.normal(ks[0], (N_ROIS, 256, P, P), dtype=jnp.float32)
    def wconv(k, shape, fan_in):
        return jax.random.normal(k, shape, dtype=jnp.float32) * np.float32(1.0 / np.sqrt(fan_in))
    w1 = wconv(ks[1], (256, 256, 3, 3), 256 * 9)
    b1 = jnp.zeros((256,), dtype=jnp.float32)
    w2 = wconv(ks[2], (256, 256, 3, 3), 256 * 9)
    b2 = jnp.zeros((256,), dtype=jnp.float32)
    w3 = wconv(ks[3], (256, 256, 3, 3), 256 * 9)
    b3 = jnp.zeros((256,), dtype=jnp.float32)
    w4 = wconv(ks[4], (256, 256, 3, 3), 256 * 9)
    b4 = jnp.zeros((256,), dtype=jnp.float32)
    wt = wconv(ks[5], (256, 256, 2, 2), 256 * 4)
    bt = jnp.zeros((256,), dtype=jnp.float32)
    w5 = wconv(ks[6], (C_CLASSES, 256, 1, 1), 256)
    b5 = jnp.zeros((C_CLASSES,), dtype=jnp.float32)
    return {
        "features": features,
        "w1": w1, "b1": b1,
        "w2": w2, "b2": b2,
        "w3": w3, "b3": b3,
        "w4": w4, "b4": b4,
        "wt": wt, "bt": bt,
        "w5": w5, "b5": b5,
    }


def _conv_same(x, w, b):
    y = lax.conv_general_dilated(
        x, w, window_strides=(1, 1), padding="SAME",
        dimension_numbers=("NCHW", "OIHW", "NCHW"))
    return y + b[None, :, None, None]


def _conv_transpose2(x, w, b):
    # matches torch.nn.ConvTranspose2d(256, 256, 2, stride=2)
    y = lax.conv_transpose(
        x, w, strides=(2, 2), padding="VALID",
        dimension_numbers=("NCHW", "OIHW", "NCHW"), transpose_kernel=True)
    return y + b[None, :, None, None]


def reference(features, w1, b1, w2, b2, w3, b3, w4, b4, wt, bt, w5, b5):
    x = jax.nn.relu(_conv_same(features, w1, b1))
    x = jax.nn.relu(_conv_same(x, w2, b2))
    x = jax.nn.relu(_conv_same(x, w3, b3))
    x = jax.nn.relu(_conv_same(x, w4, b4))
    x = jax.nn.relu(_conv_transpose2(x, wt, bt))
    x = _conv_same(x, w5, b5)  # 1x1 conv; SAME == no padding for k=1
    return jax.nn.sigmoid(x)

if __name__ == "__main__":
    import jax
    _d = setup_inputs()
    print(jax.jit(kernel)(*tuple(_d.values())))

</pallas_src>

<mosaic_0001>
module attributes {stable_mosaic.version = 14 : i64} {
  func.func @_mask_head_kernel(%arg0: i32, %arg1: memref<256x2048xf32, #tpu.memory_space<vmem>>, %arg2: memref<4x9x256x256xbf16, #tpu.memory_space<vmem>>, %arg3: memref<1024x256xbf16, #tpu.memory_space<vmem>>, %arg4: memref<16x1024xbf16, #tpu.memory_space<vmem>>, %arg5: memref<1024x8xf32, #tpu.memory_space<vmem>>, %arg6: memref<16x2048xf32, #tpu.memory_space<vmem>>) attributes {dimension_semantics = [#tpu.dimension_semantics<parallel>], iteration_bounds = array<i64: 25>, scalar_prefetch = 0 : i64, scratch_operands = 0 : i64, tpu.core_type = #tpu.core_type<tc>, window_params = [{transform_indices = @transform_0, window_bounds = array<i64: 256, 2048>}, {pipeline_mode = #tpu.pipeline_mode<synchronous>, transform_indices = @transform_1, window_bounds = array<i64: 4, 9, 256, 256>}, {pipeline_mode = #tpu.pipeline_mode<synchronous>, transform_indices = @transform_2, window_bounds = array<i64: 1024, 256>}, {pipeline_mode = #tpu.pipeline_mode<synchronous>, transform_indices = @transform_3, window_bounds = array<i64: 16, 1024>}, {pipeline_mode = #tpu.pipeline_mode<synchronous>, transform_indices = @transform_4, window_bounds = array<i64: 1024, 8>}, {transform_indices = @transform_5, window_bounds = array<i64: 16, 2048>}]} {
    %iota3A = tpu.iota {dimensions = array<i32: 1>} : vector<1x2048xi32>
    %and3A = arith.constant 255 : i32
    %and3A_0 = vector.broadcast %and3A : i32 to vector<1x2048xi32>
    %and3A_1 = arith.andi %iota3A, %and3A_0 : vector<1x2048xi32>
    %shift_right_arithmetic3A = arith.constant 4 : i32
    %shift_right_arithmetic3A_2 = vector.broadcast %shift_right_arithmetic3A : i32 to vector<1x2048xi32>
    %shift_right_arithmetic3A_3 = arith.shrsi %and3A_1, %shift_right_arithmetic3A_2 : vector<1x2048xi32>
    %and3A_4 = arith.constant 15 : i32
    %and3A_5 = vector.broadcast %and3A_4 : i32 to vector<1x2048xi32>
    %and3A_6 = arith.andi %and3A_1, %and3A_5 : vector<1x2048xi32>
    %ge3A = arith.constant 1 : i32
    %ge3A_7 = vector.broadcast %ge3A : i32 to vector<1x2048xi32>
    %ge3A_8 = arith.cmpi sge, %shift_right_arithmetic3A_3, %ge3A_7 : vector<1x2048xi32>
    %le3A = arith.constant 14 : i32
    %le3A_9 = vector.broadcast %le3A : i32 to vector<1x2048xi32>
    %le3A_10 = arith.cmpi sle, %shift_right_arithmetic3A_3, %le3A_9 : vector<1x2048xi32>
    %and3A_11 = arith.andi %ge3A_8, %le3A_10 : vector<1x2048xi1>
    %ge3A_12 = arith.constant 1 : i32
    %ge3A_13 = vector.broadcast %ge3A_12 : i32 to vector<1x2048xi32>
    %ge3A_14 = arith.cmpi sge, %and3A_6, %ge3A_13 : vector<1x2048xi32>
    %and3A_15 = arith.andi %and3A_11, %ge3A_14 : vector<1x2048xi1>
    %le3A_16 = arith.constant 14 : i32
    %le3A_17 = vector.broadcast %le3A_16 : i32 to vector<1x2048xi32>
    %le3A_18 = arith.cmpi sle, %and3A_6, %le3A_17 : vector<1x2048xi32>
    %and3A_19 = arith.andi %and3A_15, %le3A_18 : vector<1x2048xi1>
    %get3A = arith.constant 0 : index
    %get3A_20 = arith.constant 0 : index
    %get3A_21 = vector.load %arg1[%get3A, %get3A_20] : memref<256x2048xf32, #tpu.memory_space<vmem>>, vector<256x2048xf32>
    %convert_element_type3A = arith.truncf %get3A_21 : vector<256x2048xf32> to vector<256x2048xbf16>
    %roll3A = arith.constant 1 : i32
    %roll3A_22 = tpu.dynamic_rotate %convert_element_type3A by %roll3A dim 1 : vector<256x2048xbf16>, i32 -> vector<256x2048xbf16>
    %roll3A_23 = arith.constant 2047 : i32
    %roll3A_24 = tpu.dynamic_rotate %convert_element_type3A by %roll3A_23 dim 1 : vector<256x2048xbf16>, i32 -> vector<256x2048xbf16>
    %get3A_25 = arith.constant 0 : index
    %get3A_26 = arith.constant 0 : index
    %get3A_27 = arith.constant 0 : index
    %get3A_28 = arith.constant 0 : index
    %get3A_29 = vector.load %arg2[%get3A_25, %get3A_26, %get3A_27, %get3A_28] : memref<4x9x256x256xbf16, #tpu.memory_space<vmem>>, vector<1x1x256x256xbf16>
    %get3A_30 = vector.shape_cast %get3A_29 : vector<1x1x256x256xbf16> to vector<256x256xbf16>
    %dot_general3A = arith.constant dense<0.000000e+00> : vector<256x2048xf32>
    %dot_general3A_31 = tpu.matmul %get3A_30, %roll3A_22, %dot_general3A {dimension_numbers = #tpu.dot_dimension_numbers<[1], [0], [0], [1], [0, 0, 1, 1], [], []>, transpose_lhs_hint = false} : vector<256x256xbf16>, vector<256x2048xbf16>, vector<256x2048xf32> -> vector<256x2048xf32>
    %get3A_32 = arith.constant 0 : index
    %get3A_33 = arith.constant 1 : index
    %get3A_34 = arith.constant 0 : index
    %get3A_35 = arith.constant 0 : index
    %get3A_36 = vector.load %arg2[%get3A_32, %get3A_33, %get3A_34, %get3A_35] : memref<4x9x256x256xbf16, #tpu.memory_space<vmem>>, vector<1x1x256x256xbf16>
    %get3A_37 = vector.shape_cast %get3A_36 : vector<1x1x256x256xbf16> to vector<256x256xbf16>
    %dot_general3A_38 = arith.constant dense<0.000000e+00> : vector<256x2048xf32>
    %dot_general3A_39 = tpu.matmul %get3A_37, %convert_element_type3A, %dot_general3A_38 {dimension_numbers = #tpu.dot_dimension_numbers<[1], [0], [0], [1], [0, 0, 1, 1], [], []>, transpose_lhs_hint = false} : vector<256x256xbf16>, vector<256x2048xbf16>, vector<256x2048xf32> -> vector<256x2048xf32>
    %add3A = arith.addf %dot_general3A_31, %dot_general3A_39 : vector<256x2048xf32>
    %get3A_40 = arith.constant 0 : index
    %get3A_41 = arith.constant 2 : index
    %get3A_42 = arith.constant 0 : index
    %get3A_43 = arith.constant 0 : index
    %get3A_44 = vector.load %arg2[%get3A_40, %get3A_41, %get3A_42, %get3A_43] : memref<4x9x256x256xbf16, #tpu.memory_space<vmem>>, vector<1x1x256x256xbf16>
    %get3A_45 = vector.shape_cast %get3A_44 : vector<1x1x256x256xbf16> to vector<256x256xbf16>
    %dot_general3A_46 = arith.constant dense<0.000000e+00> : vector<256x2048xf32>
    %dot_general3A_47 = tpu.matmul %get3A_45, %roll3A_24, %dot_general3A_46 {dimension_numbers = #tpu.dot_dimension_numbers<[1], [0], [0], [1], [0, 0, 1, 1], [], []>, transpose_lhs_hint = false} : vector<256x256xbf16>, vector<256x2048xbf16>, vector<256x2048xf32> -> vector<256x2048xf32>
    %add3A_48 = arith.addf %add3A, %dot_general3A_47 : vector<256x2048xf32>
    %roll3A_49 = arith.constant 16 : i32
    %roll3A_50 = tpu.dynamic_rotate %add3A_48 by %roll3A_49 dim 1 : vector<256x2048xf32>, i32 -> vector<256x2048xf32>
    %get3A_51 = arith.constant 0 : index
    %get3A_52 = arith.constant 3 : index
    %get3A_53 = arith.constant 0 : index
    %get3A_54 = arith.constant 0 : index
    %get3A_55 = vector.load %arg2[%get3A_51, %get3A_52, %get3A_53, %get3A_54] : memref<4x9x256x256xbf16, #tpu.memory_space<vmem>>, vector<1x1x256x256xbf16>
    %get3A_56 = vector.shape_cast %get3A_55 : vector<1x1x256x256xbf16> to vector<256x256xbf16>
    %dot_general3A_57 = arith.constant dense<0.000000e+00> : vector<256x2048xf32>
    %dot_general3A_58 = tpu.matmul %get3A_56, %roll3A_22, %dot_general3A_57 {dimension_numbers = #tpu.dot_dimension_numbers<[1], [0], [0], [1], [0, 0, 1, 1], [], []>, transpose_lhs_hint = false} : vector<256x256xbf16>, vector<256x2048xbf16>, vector<256x2048xf32> -> vector<256x2048xf32>
    %get3A_59 = arith.constant 0 : index
    %get3A_60 = arith.constant 4 : index
    %get3A_61 = arith.constant 0 : index
    %get3A_62 = arith.constant 0 : index
    %get3A_63 = vector.load %arg2[%get3A_59, %get3A_60, %get3A_61, %get3A_62] : memref<4x9x256x256xbf16, #tpu.memory_space<vmem>>, vector<1x1x256x256xbf16>
    %get3A_64 = vector.shape_cast %get3A_63 : vector<1x1x256x256xbf16> to vector<256x256xbf16>
    %dot_general3A_65 = arith.constant dense<0.000000e+00> : vector<256x2048xf32>
    %dot_general3A_66 = tpu.matmul %get3A_64, %convert_element_type3A, %dot_general3A_65 {dimension_numbers = #tpu.dot_dimension_numbers<[1], [0], [0], [1], [0, 0, 1, 1], [], []>, transpose_lhs_hint = false} : vector<256x256xbf16>, vector<256x2048xbf16>, vector<256x2048xf32> -> vector<256x2048xf32>
    %add3A_67 = arith.addf %dot_general3A_58, %dot_general3A_66 : vector<256x2048xf32>
    %get3A_68 = arith.constant 0 : index
    %get3A_69 = arith.constant 5 : index
    %get3A_70 = arith.constant 0 : index
    %get3A_71 = arith.constant 0 : index
    %get3A_72 = vector.load %arg2[%get3A_68, %get3A_69, %get3A_70, %get3A_71] : memref<4x9x256x256xbf16, #tpu.memory_space<vmem>>, vector<1x1x256x256xbf16>
    %get3A_73 = vector.shape_cast %get3A_72 : vector<1x1x256x256xbf16> to vector<256x256xbf16>
    %dot_general3A_74 = arith.constant dense<0.000000e+00> : vector<256x2048xf32>
    %dot_general3A_75 = tpu.matmul %get3A_73, %roll3A_24, %dot_general3A_74 {dimension_numbers = #tpu.dot_dimension_numbers<[1], [0], [0], [1], [0, 0, 1, 1], [], []>, transpose_lhs_hint = false} : vector<256x256xbf16>, vector<256x2048xbf16>, vector<256x2048xf32> -> vector<256x2048xf32>
    %add3A_76 = arith.addf %add3A_67, %dot_general3A_75 : vector<256x2048xf32>
    %add3A_77 = arith.addf %roll3A_50, %add3A_76 : vector<256x2048xf32>
    %get3A_78 = arith.constant 0 : index
    %get3A_79 = arith.constant 6 : index
    %get3A_80 = arith.constant 0 : index
    %get3A_81 = arith.constant 0 : index
    %get3A_82 = vector.load %arg2[%get3A_78, %get3A_79, %get3A_80, %get3A_81] : memref<4x9x256x256xbf16, #tpu.memory_space<vmem>>, vector<1x1x256x256xbf16>
    %get3A_83 = vector.shape_cast %get3A_82 : vector<1x1x256x256xbf16> to vector<256x256xbf16>
    %dot_general3A_84 = arith.constant dense<0.000000e+00> : vector<256x2048xf32>
    %dot_general3A_85 = tpu.matmul %get3A_83, %roll3A_22, %dot_general3A_84 {dimension_numbers = #tpu.dot_dimension_numbers<[1], [0], [0], [1], [0, 0, 1, 1], [], []>, transpose_lhs_hint = false} : vector<256x256xbf16>, vector<256x2048xbf16>, vector<256x2048xf32> -> vector<256x2048xf32>
    %get3A_86 = arith.constant 0 : index
    %get3A_87 = arith.constant 7 : index
    %get3A_88 = arith.constant 0 : index
    %get3A_89 = arith.constant 0 : index
    %get3A_90 = vector.load %arg2[%get3A_86, %get3A_87, %get3A_88, %get3A_89] : memref<4x9x256x256xbf16, #tpu.memory_space<vmem>>, vector<1x1x256x256xbf16>
    %get3A_91 = vector.shape_cast %get3A_90 : vector<1x1x256x256xbf16> to vector<256x256xbf16>
    %dot_general3A_92 = arith.constant dense<0.000000e+00> : vector<256x2048xf32>
    %dot_general3A_93 = tpu.matmul %get3A_91, %convert_element_type3A, %dot_general3A_92 {dimension_numbers = #tpu.dot_dimension_numbers<[1], [0], [0], [1], [0, 0, 1, 1], [], []>, transpose_lhs_hint = false} : vector<256x256xbf16>, vector<256x2048xbf16>, vector<256x2048xf32> -> vector<256x2048xf32>
    %add3A_94 = arith.addf %dot_general3A_85, %dot_general3A_93 : vector<256x2048xf32>
    %get3A_95 = arith.constant 0 : index
    %get3A_96 = arith.constant 8 : index
    %get3A_97 = arith.constant 0 : index
    %get3A_98 = arith.constant 0 : index
    %get3A_99 = vector.load %arg2[%get3A_95, %get3A_96, %get3A_97, %get3A_98] : memref<4x9x256x256xbf16, #tpu.memory_space<vmem>>, vector<1x1x256x256xbf16>
    %get3A_100 = vector.shape_cast %get3A_99 : vector<1x1x256x256xbf16> to vector<256x256xbf16>
    %dot_general3A_101 = arith.constant dense<0.000000e+00> : vector<256x2048xf32>
    %dot_general3A_102 = tpu.matmul %get3A_100, %roll3A_24, %dot_general3A_101 {dimension_numbers = #tpu.dot_dimension_numbers<[1], [0], [0], [1], [0, 0, 1, 1], [], []>, transpose_lhs_hint = false} : vector<256x256xbf16>, vector<256x2048xbf16>, vector<256x2048xf32> -> vector<256x2048xf32>
    %add3A_103 = arith.addf %add3A_94, %dot_general3A_102 : vector<256x2048xf32>
    %roll3A_104 = arith.constant 2032 : i32
    %roll3A_105 = tpu.dynamic_rotate %add3A_103 by %roll3A_104 dim 1 : vector<256x2048xf32>, i32 -> vector<256x2048xf32>
    %add3A_106 = arith.addf %add3A_77, %roll3A_105 : vector<256x2048xf32>
    %get3A_107 = arith.constant 0 : index
    %get3A_108 = arith.constant 0 : index
    %get3A_109 = vector.load %arg5[%get3A_107, %get3A_108] : memref<1024x8xf32, #tpu.memory_space<vmem>>, vector<256x1xf32>
    %add3A_110 = vector.broadcast %get3A_109 : vector<256x1xf32> to vector<256x2048xf32>
    %add3A_111 = arith.addf %add3A_106, %add3A_110 : vector<256x2048xf32>
    %max3A = arith.constant 0.000000e+00 : f32
    %max3A_112 = vector.broadcast %max3A : f32 to vector<256x2048xf32>
    %max3A_113 = arith.maximumf %add3A_111, %max3A_112 : vector<256x2048xf32>
    %jit3A = arith.constant 0.000000e+00 : f32
    %broadcast_in_dim3A = vector.shape_cast %and3A_19 : vector<1x2048xi1> to vector<1x2048xi1>
    %broadcast_in_dim3A_114 = vector.broadcast %broadcast_in_dim3A : vector<1x2048xi1> to vector<256x2048xi1>
    %broadcast_in_dim3A_115 = vector.broadcast %jit3A : f32 to vector<256x2048xf32>
    %select_n3A = arith.select %broadcast_in_dim3A_114, %max3A_113, %broadcast_in_dim3A_115 : vector<256x2048xi1>, vector<256x2048xf32>
    %convert_element_type3A_116 = arith.truncf %select_n3A : vector<256x2048xf32> to vector<256x2048xbf16>
    %roll3A_117 = arith.constant 1 : i32
    %roll3A_118 = tpu.dynamic_rotate %convert_element_type3A_116 by %roll3A_117 dim 1 : vector<256x2048xbf16>, i32 -> vector<256x2048xbf16>
    %roll3A_119 = arith.constant 2047 : i32
    %roll3A_120 = tpu.dynamic_rotate %convert_element_type3A_116 by %roll3A_119 dim 1 : vector<256x2048xbf16>, i32 -> vector<256x2048xbf16>
    %get3A_121 = arith.constant 1 : index
    %get3A_122 = arith.constant 0 : index
    %get3A_123 = arith.constant 0 : index
    %get3A_124 = arith.constant 0 : index
    %get3A_125 = vector.load %arg2[%get3A_121, %get3A_122, %get3A_123, %get3A_124] : memref<4x9x256x256xbf16, #tpu.memory_space<vmem>>, vector<1x1x256x256xbf16>
    %get3A_126 = vector.shape_cast %get3A_125 : vector<1x1x256x256xbf16> to vector<256x256xbf16>
    %dot_general3A_127 = arith.constant dense<0.000000e+00> : vector<256x2048xf32>
    %dot_general3A_128 = tpu.matmul %get3A_126, %roll3A_118, %dot_general3A_127 {dimension_numbers = #tpu.dot_dimension_numbers<[1], [0], [0], [1], [0, 0, 1, 1], [], []>, transpose_lhs_hint = false} : vector<256x256xbf16>, vector<256x2048xbf16>, vector<256x2048xf32> -> vector<256x2048xf32>
    %get3A_129 = arith.constant 1 : index
    %get3A_130 = arith.constant 1 : index
    %get3A_131 = arith.constant 0 : index
    %get3A_132 = arith.constant 0 : index
    %get3A_133 = vector.load %arg2[%get3A_129, %get3A_130, %get3A_131, %get3A_132] : memref<4x9x256x256xbf16, #tpu.memory_space<vmem>>, vector<1x1x256x256xbf16>
    %get3A_134 = vector.shape_cast %get3A_133 : vector<1x1x256x256xbf16> to vector<256x256xbf16>
    %dot_general3A_135 = arith.constant dense<0.000000e+00> : vector<256x2048xf32>
    %dot_general3A_136 = tpu.matmul %get3A_134, %convert_element_type3A_116, %dot_general3A_135 {dimension_numbers = #tpu.dot_dimension_numbers<[1], [0], [0], [1], [0, 0, 1, 1], [], []>, transpose_lhs_hint = false} : vector<256x256xbf16>, vector<256x2048xbf16>, vector<256x2048xf32> -> vector<256x2048xf32>
    %add3A_137 = arith.addf %dot_general3A_128, %dot_general3A_136 : vector<256x2048xf32>
    %get3A_138 = arith.constant 1 : index
    %get3A_139 = arith.constant 2 : index
    %get3A_140 = arith.constant 0 : index
    %get3A_141 = arith.constant 0 : index
    %get3A_142 = vector.load %arg2[%get3A_138, %get3A_139, %get3A_140, %get3A_141] : memref<4x9x256x256xbf16, #tpu.memory_space<vmem>>, vector<1x1x256x256xbf16>
    %get3A_143 = vector.shape_cast %get3A_142 : vector<1x1x256x256xbf16> to vector<256x256xbf16>
    %dot_general3A_144 = arith.constant dense<0.000000e+00> : vector<256x2048xf32>
    %dot_general3A_145 = tpu.matmul %get3A_143, %roll3A_120, %dot_general3A_144 {dimension_numbers = #tpu.dot_dimension_numbers<[1], [0], [0], [1], [0, 0, 1, 1], [], []>, transpose_lhs_hint = false} : vector<256x256xbf16>, vector<256x2048xbf16>, vector<256x2048xf32> -> vector<256x2048xf32>
    %add3A_146 = arith.addf %add3A_137, %dot_general3A_145 : vector<256x2048xf32>
    %roll3A_147 = arith.constant 16 : i32
    %roll3A_148 = tpu.dynamic_rotate %add3A_146 by %roll3A_147 dim 1 : vector<256x2048xf32>, i32 -> vector<256x2048xf32>
    %get3A_149 = arith.constant 1 : index
    %get3A_150 = arith.constant 3 : index
    %get3A_151 = arith.constant 0 : index
    %get3A_152 = arith.constant 0 : index
    %get3A_153 = vector.load %arg2[%get3A_149, %get3A_150, %get3A_151, %get3A_152] : memref<4x9x256x256xbf16, #tpu.memory_space<vmem>>, vector<1x1x256x256xbf16>
    %get3A_154 = vector.shape_cast %get3A_153 : vector<1x1x256x256xbf16> to vector<256x256xbf16>
    %dot_general3A_155 = arith.constant dense<0.000000e+00> : vector<256x2048xf32>
    %dot_general3A_156 = tpu.matmul %get3A_154, %roll3A_118, %dot_general3A_155 {dimension_numbers = #tpu.dot_dimension_numbers<[1], [0], [0], [1], [0, 0, 1, 1], [], []>, transpose_lhs_hint = false} : vector<256x256xbf16>, vector<256x2048xbf16>, vector<256x2048xf32> -> vector<256x2048xf32>
    %get3A_157 = arith.constant 1 : index
    %get3A_158 = arith.constant 4 : index
    %get3A_159 = arith.constant 0 : index
    %get3A_160 = arith.constant 0 : index
    %get3A_161 = vector.load %arg2[%get3A_157, %get3A_158, %get3A_159, %get3A_160] : memref<4x9x256x256xbf16, #tpu.memory_space<vmem>>, vector<1x1x256x256xbf16>
    %get3A_162 = vector.shape_cast %get3A_161 : vector<1x1x256x256xbf16> to vector<256x256xbf16>
    %dot_general3A_163 = arith.constant dense<0.000000e+00> : vector<256x2048xf32>
    %dot_general3A_164 = tpu.matmul %get3A_162, %convert_element_type3A_116, %dot_general3A_163 {dimension_numbers = #tpu.dot_dimension_numbers<[1], [0], [0], [1], [0, 0, 1, 1], [], []>, transpose_lhs_hint = false} : vector<256x256xbf16>, vector<256x2048xbf16>, vector<256x2048xf32> -> vector<256x2048xf32>
    %add3A_165 = arith.addf %dot_general3A_156, %dot_general3A_164 : vector<256x2048xf32>
    %get3A_166 = arith.constant 1 : index
    %get3A_167 = arith.constant 5 : index
    %get3A_168 = arith.constant 0 : index
    %get3A_169 = arith.constant 0 : index
    %get3A_170 = vector.load %arg2[%get3A_166, %get3A_167, %get3A_168, %get3A_169] : memref<4x9x256x256xbf16, #tpu.memory_space<vmem>>, vector<1x1x256x256xbf16>
    %get3A_171 = vector.shape_cast %get3A_170 : vector<1x1x256x256xbf16> to vector<256x256xbf16>
    %dot_general3A_172 = arith.constant dense<0.000000e+00> : vector<256x2048xf32>
    %dot_general3A_173 = tpu.matmul %get3A_171, %roll3A_120, %dot_general3A_172 {dimension_numbers = #tpu.dot_dimension_numbers<[1], [0], [0], [1], [0, 0, 1, 1], [], []>, transpose_lhs_hint = false} : vector<256x256xbf16>, vector<256x2048xbf16>, vector<256x2048xf32> -> vector<256x2048xf32>
    %add3A_174 = arith.addf %add3A_165, %dot_general3A_173 : vector<256x2048xf32>
    %add3A_175 = arith.addf %roll3A_148, %add3A_174 : vector<256x2048xf32>
    %get3A_176 = arith.constant 1 : index
    %get3A_177 = arith.constant 6 : index
    %get3A_178 = arith.constant 0 : index
    %get3A_179 = arith.constant 0 : index
    %get3A_180 = vector.load %arg2[%get3A_176, %get3A_177, %get3A_178, %get3A_179] : memref<4x9x256x256xbf16, #tpu.memory_space<vmem>>, vector<1x1x256x256xbf16>
    %get3A_181 = vector.shape_cast %get3A_180 : vector<1x1x256x256xbf16> to vector<256x256xbf16>
    %dot_general3A_182 = arith.constant dense<0.000000e+00> : vector<256x2048xf32>
    %dot_general3A_183 = tpu.matmul %get3A_181, %roll3A_118, %dot_general3A_182 {dimension_numbers = #tpu.dot_dimension_numbers<[1], [0], [0], [1], [0, 0, 1, 1], [], []>, transpose_lhs_hint = false} : vector<256x256xbf16>, vector<256x2048xbf16>, vector<256x2048xf32> -> vector<256x2048xf32>
    %get3A_184 = arith.constant 1 : index
    %get3A_185 = arith.constant 7 : index
    %get3A_186 = arith.constant 0 : index
    %get3A_187 = arith.constant 0 : index
    %get3A_188 = vector.load %arg2[%get3A_184, %get3A_185, %get3A_186, %get3A_187] : memref<4x9x256x256xbf16, #tpu.memory_space<vmem>>, vector<1x1x256x256xbf16>
    %get3A_189 = vector.shape_cast %get3A_188 : vector<1x1x256x256xbf16> to vector<256x256xbf16>
    %dot_general3A_190 = arith.constant dense<0.000000e+00> : vector<256x2048xf32>
    %dot_general3A_191 = tpu.matmul %get3A_189, %convert_element_type3A_116, %dot_general3A_190 {dimension_numbers = #tpu.dot_dimension_numbers<[1], [0], [0], [1], [0, 0, 1, 1], [], []>, transpose_lhs_hint = false} : vector<256x256xbf16>, vector<256x2048xbf16>, vector<256x2048xf32> -> vector<256x2048xf32>
    %add3A_192 = arith.addf %dot_general3A_183, %dot_general3A_191 : vector<256x2048xf32>
    %get3A_193 = arith.constant 1 : index
    %get3A_194 = arith.constant 8 : index
    %get3A_195 = arith.constant 0 : index
    %get3A_196 = arith.constant 0 : index
    %get3A_197 = vector.load %arg2[%get3A_193, %get3A_194, %get3A_195, %get3A_196] : memref<4x9x256x256xbf16, #tpu.memory_space<vmem>>, vector<1x1x256x256xbf16>
    %get3A_198 = vector.shape_cast %get3A_197 : vector<1x1x256x256xbf16> to vector<256x256xbf16>
    %dot_general3A_199 = arith.constant dense<0.000000e+00> : vector<256x2048xf32>
    %dot_general3A_200 = tpu.matmul %get3A_198, %roll3A_120, %dot_general3A_199 {dimension_numbers = #tpu.dot_dimension_numbers<[1], [0], [0], [1], [0, 0, 1, 1], [], []>, transpose_lhs_hint = false} : vector<256x256xbf16>, vector<256x2048xbf16>, vector<256x2048xf32> -> vector<256x2048xf32>
    %add3A_201 = arith.addf %add3A_192, %dot_general3A_200 : vector<256x2048xf32>
    %roll3A_202 = arith.constant 2032 : i32
    %roll3A_203 = tpu.dynamic_rotate %add3A_201 by %roll3A_202 dim 1 : vector<256x2048xf32>, i32 -> vector<256x2048xf32>
    %add3A_204 = arith.addf %add3A_175, %roll3A_203 : vector<256x2048xf32>
    %get3A_205 = arith.constant 0 : index
    %get3A_206 = arith.constant 1 : index
    %get3A_207 = vector.load %arg5[%get3A_205, %get3A_206] : memref<1024x8xf32, #tpu.memory_space<vmem>>, vector<256x1xf32>
    %add3A_208 = vector.broadcast %get3A_207 : vector<256x1xf32> to vector<256x2048xf32>
    %add3A_209 = arith.addf %add3A_204, %add3A_208 : vector<256x2048xf32>
    %max3A_210 = arith.constant 0.000000e+00 : f32
    %max3A_211 = vector.broadcast %max3A_210 : f32 to vector<256x2048xf32>
    %max3A_212 = arith.maximumf %add3A_209, %max3A_211 : vector<256x2048xf32>
    %jit3A_213 = arith.constant 0.000000e+00 : f32
    %broadcast_in_dim3A_214 = vector.shape_cast %and3A_19 : vector<1x2048xi1> to vector<1x2048xi1>
    %broadcast_in_dim3A_215 = vector.broadcast %broadcast_in_dim3A_214 : vector<1x2048xi1> to vector<256x2048xi1>
    %broadcast_in_dim3A_216 = vector.broadcast %jit3A_213 : f32 to vector<256x2048xf32>
    %select_n3A_217 = arith.select %broadcast_in_dim3A_215, %max3A_212, %broadcast_in_dim3A_216 : vector<256x2048xi1>, vector<256x2048xf32>
    %convert_element_type3A_218 = arith.truncf %select_n3A_217 : vector<256x2048xf32> to vector<256x2048xbf16>
    %roll3A_219 = arith.constant 1 : i32
    %roll3A_220 = tpu.dynamic_rotate %convert_element_type3A_218 by %roll3A_219 dim 1 : vector<256x2048xbf16>, i32 -> vector<256x2048xbf16>
    %roll3A_221 = arith.constant 2047 : i32
    %roll3A_222 = tpu.dynamic_rotate %convert_element_type3A_218 by %roll3A_221 dim 1 : vector<256x2048xbf16>, i32 -> vector<256x2048xbf16>
    %get3A_223 = arith.constant 2 : index
    %get3A_224 = arith.constant 0 : index
    %get3A_225 = arith.constant 0 : index
    %get3A_226 = arith.constant 0 : index
    %get3A_227 = vector.load %arg2[%get3A_223, %get3A_224, %get3A_225, %get3A_226] : memref<4x9x256x256xbf16, #tpu.memory_space<vmem>>, vector<1x1x256x256xbf16>
    %get3A_228 = vector.shape_cast %get3A_227 : vector<1x1x256x256xbf16> to vector<256x256xbf16>
    %dot_general3A_229 = arith.constant dense<0.000000e+00> : vector<256x2048xf32>
    %dot_general3A_230 = tpu.matmul %get3A_228, %roll3A_220, %dot_general3A_229 {dimension_numbers = #tpu.dot_dimension_numbers<[1], [0], [0], [1], [0, 0, 1, 1], [], []>, transpose_lhs_hint = false} : vector<256x256xbf16>, vector<256x2048xbf16>, vector<256x2048xf32> -> vector<256x2048xf32>
    %get3A_231 = arith.constant 2 : index
    %get3A_232 = arith.constant 1 : index
    %get3A_233 = arith.constant 0 : index
    %get3A_234 = arith.constant 0 : index
    %get3A_235 = vector.load %arg2[%get3A_231, %get3A_232, %get3A_233, %get3A_234] : memref<4x9x256x256xbf16, #tpu.memory_space<vmem>>, vector<1x1x256x256xbf16>
    %get3A_236 = vector.shape_cast %get3A_235 : vector<1x1x256x256xbf16> to vector<256x256xbf16>
    %dot_general3A_237 = arith.constant dense<0.000000e+00> : vector<256x2048xf32>
    %dot_general3A_238 = tpu.matmul %get3A_236, %convert_element_type3A_218, %dot_general3A_237 {dimension_numbers = #tpu.dot_dimension_numbers<[1], [0], [0], [1], [0, 0, 1, 1], [], []>, transpose_lhs_hint = false} : vector<256x256xbf16>, vector<256x2048xbf16>, vector<256x2048xf32> -> vector<256x2048xf32>
    %add3A_239 = arith.addf %dot_general3A_230, %dot_general3A_238 : vector<256x2048xf32>
    %get3A_240 = arith.constant 2 : index
    %get3A_241 = arith.constant 2 : index
    %get3A_242 = arith.constant 0 : index
    %get3A_243 = arith.constant 0 : index
    %get3A_244 = vector.load %arg2[%get3A_240, %get3A_241, %get3A_242, %get3A_243] : memref<4x9x256x256xbf16, #tpu.memory_space<vmem>>, vector<1x1x256x256xbf16>
    %get3A_245 = vector.shape_cast %get3A_244 : vector<1x1x256x256xbf16> to vector<256x256xbf16>
    %dot_general3A_246 = arith.constant dense<0.000000e+00> : vector<256x2048xf32>
    %dot_general3A_247 = tpu.matmul %get3A_245, %roll3A_222, %dot_general3A_246 {dimension_numbers = #tpu.dot_dimension_numbers<[1], [0], [0], [1], [0, 0, 1, 1], [], []>, transpose_lhs_hint = false} : vector<256x256xbf16>, vector<256x2048xbf16>, vector<256x2048xf32> -> vector<256x2048xf32>
    %add3A_248 = arith.addf %add3A_239, %dot_general3A_247 : vector<256x2048xf32>
    %roll3A_249 = arith.constant 16 : i32
    %roll3A_250 = tpu.dynamic_rotate %add3A_248 by %roll3A_249 dim 1 : vector<256x2048xf32>, i32 -> vector<256x2048xf32>
    %get3A_251 = arith.constant 2 : index
    %get3A_252 = arith.constant 3 : index
    %get3A_253 = arith.constant 0 : index
    %get3A_254 = arith.constant 0 : index
    %get3A_255 = vector.load %arg2[%get3A_251, %get3A_252, %get3A_253, %get3A_254] : memref<4x9x256x256xbf16, #tpu.memory_space<vmem>>, vector<1x1x256x256xbf16>
    %get3A_256 = vector.shape_cast %get3A_255 : vector<1x1x256x256xbf16> to vector<256x256xbf16>
    %dot_general3A_257 = arith.constant dense<0.000000e+00> : vector<256x2048xf32>
    %dot_general3A_258 = tpu.matmul %get3A_256, %roll3A_220, %dot_general3A_257 {dimension_numbers = #tpu.dot_dimension_numbers<[1], [0], [0], [1], [0, 0, 1, 1], [], []>, transpose_lhs_hint = false} : vector<256x256xbf16>, vector<256x2048xbf16>, vector<256x2048xf32> -> vector<256x2048xf32>
    %get3A_259 = arith.constant 2 : index
    %get3A_260 = arith.constant 4 : index
    %get3A_261 = arith.constant 0 : index
    %get3A_262 = arith.constant 0 : index
    %get3A_263 = vector.load %arg2[%get3A_259, %get3A_260, %get3A_261, %get3A_262] : memref<4x9x256x256xbf16, #tpu.memory_space<vmem>>, vector<1x1x256x256xbf16>
    %get3A_264 = vector.shape_cast %get3A_263 : vector<1x1x256x256xbf16> to vector<256x256xbf16>
    %dot_general3A_265 = arith.constant dense<0.000000e+00> : vector<256x2048xf32>
    %dot_general3A_266 = tpu.matmul %get3A_264, %convert_element_type3A_218, %dot_general3A_265 {dimension_numbers = #tpu.dot_dimension_numbers<[1], [0], [0], [1], [0, 0, 1, 1], [], []>, transpose_lhs_hint = false} : vector<256x256xbf16>, vector<256x2048xbf16>, vector<256x2048xf32> -> vector<256x2048xf32>
    %add3A_267 = arith.addf %dot_general3A_258, %dot_general3A_266 : vector<256x2048xf32>
    %get3A_268 = arith.constant 2 : index
    %get3A_269 = arith.constant 5 : index
    %get3A_270 = arith.constant 0 : index
    %get3A_271 = arith.constant 0 : index
    %get3A_272 = vector.load %arg2[%get3A_268, %get3A_269, %get3A_270, %get3A_271] : memref<4x9x256x256xbf16, #tpu.memory_space<vmem>>, vector<1x1x256x256xbf16>
    %get3A_273 = vector.shape_cast %get3A_272 : vector<1x1x256x256xbf16> to vector<256x256xbf16>
    %dot_general3A_274 = arith.constant dense<0.000000e+00> : vector<256x2048xf32>
    %dot_general3A_275 = tpu.matmul %get3A_273, %roll3A_222, %dot_general3A_274 {dimension_numbers = #tpu.dot_dimension_numbers<[1], [0], [0], [1], [0, 0, 1, 1], [], []>, transpose_lhs_hint = false} : vector<256x256xbf16>, vector<256x2048xbf16>, vector<256x2048xf32> -> vector<256x2048xf32>
    %add3A_276 = arith.addf %add3A_267, %dot_general3A_275 : vector<256x2048xf32>
    %add3A_277 = arith.addf %roll3A_250, %add3A_276 : vector<256x2048xf32>
    %get3A_278 = arith.constant 2 : index
    %get3A_279 = arith.constant 6 : index
    %get3A_280 = arith.constant 0 : index
    %get3A_281 = arith.constant 0 : index
    %get3A_282 = vector.load %arg2[%get3A_278, %get3A_279, %get3A_280, %get3A_281] : memref<4x9x256x256xbf16, #tpu.memory_space<vmem>>, vector<1x1x256x256xbf16>
    %get3A_283 = vector.shape_cast %get3A_282 : vector<1x1x256x256xbf16> to vector<256x256xbf16>
    %dot_general3A_284 = arith.constant dense<0.000000e+00> : vector<256x2048xf32>
    %dot_general3A_285 = tpu.matmul %get3A_283, %roll3A_220, %dot_general3A_284 {dimension_numbers = #tpu.dot_dimension_numbers<[1], [0], [0], [1], [0, 0, 1, 1], [], []>, transpose_lhs_hint = false} : vector<256x256xbf16>, vector<256x2048xbf16>, vector<256x2048xf32> -> vector<256x2048xf32>
    %get3A_286 = arith.constant 2 : index
    %get3A_287 = arith.constant 7 : index
    %get3A_288 = arith.constant 0 : index
    %get3A_289 = arith.constant 0 : index
    %get3A_290 = vector.load %arg2[%get3A_286, %get3A_287, %get3A_288, %get3A_289] : memref<4x9x256x256xbf16, #tpu.memory_space<vmem>>, vector<1x1x256x256xbf16>
    %get3A_291 = vector.shape_cast %get3A_290 : vector<1x1x256x256xbf16> to vector<256x256xbf16>
    %dot_general3A_292 = arith.constant dense<0.000000e+00> : vector<256x2048xf32>
    %dot_general3A_293 = tpu.matmul %get3A_291, %convert_element_type3A_218, %dot_general3A_292 {dimension_numbers = #tpu.dot_dimension_numbers<[1], [0], [0], [1], [0, 0, 1, 1], [], []>, transpose_lhs_hint = false} : vector<256x256xbf16>, vector<256x2048xbf16>, vector<256x2048xf32> -> vector<256x2048xf32>
    %add3A_294 = arith.addf %dot_general3A_285, %dot_general3A_293 : vector<256x2048xf32>
    %get3A_295 = arith.constant 2 : index
    %get3A_296 = arith.constant 8 : index
    %get3A_297 = arith.constant 0 : index
    %get3A_298 = arith.constant 0 : index
    %get3A_299 = vector.load %arg2[%get3A_295, %get3A_296, %get3A_297, %get3A_298] : memref<4x9x256x256xbf16, #tpu.memory_space<vmem>>, vector<1x1x256x256xbf16>
    %get3A_300 = vector.shape_cast %get3A_299 : vector<1x1x256x256xbf16> to vector<256x256xbf16>
    %dot_general3A_301 = arith.constant dense<0.000000e+00> : vector<256x2048xf32>
    %dot_general3A_302 = tpu.matmul %get3A_300, %roll3A_222, %dot_general3A_301 {dimension_numbers = #tpu.dot_dimension_numbers<[1], [0], [0], [1], [0, 0, 1, 1], [], []>, transpose_lhs_hint = false} : vector<256x256xbf16>, vector<256x2048xbf16>, vector<256x2048xf32> -> vector<256x2048xf32>
    %add3A_303 = arith.addf %add3A_294, %dot_general3A_302 : vector<256x2048xf32>
    %roll3A_304 = arith.constant 2032 : i32
    %roll3A_305 = tpu.dynamic_rotate %add3A_303 by %roll3A_304 dim 1 : vector<256x2048xf32>, i32 -> vector<256x2048xf32>
    %add3A_306 = arith.addf %add3A_277, %roll3A_305 : vector<256x2048xf32>
    %get3A_307 = arith.constant 0 : index
    %get3A_308 = arith.constant 2 : index
    %get3A_309 = vector.load %arg5[%get3A_307, %get3A_308] : memref<1024x8xf32, #tpu.memory_space<vmem>>, vector<256x1xf32>
    %add3A_310 = vector.broadcast %get3A_309 : vector<256x1xf32> to vector<256x2048xf32>
    %add3A_311 = arith.addf %add3A_306, %add3A_310 : vector<256x2048xf32>
    %max3A_312 = arith.constant 0.000000e+00 : f32
    %max3A_313 = vector.broadcast %max3A_312 : f32 to vector<256x2048xf32>
    %max3A_314 = arith.maximumf %add3A_311, %max3A_313 : vector<256x2048xf32>
    %jit3A_315 = arith.constant 0.000000e+00 : f32
    %broadcast_in_dim3A_316 = vector.shape_cast %and3A_19 : vector<1x2048xi1> to vector<1x2048xi1>
    %broadcast_in_dim3A_317 = vector.broadcast %broadcast_in_dim3A_316 : vector<1x2048xi1> to vector<256x2048xi1>
    %broadcast_in_dim3A_318 = vector.broadcast %jit3A_315 : f32 to vector<256x2048xf32>
    %select_n3A_319 = arith.select %broadcast_in_dim3A_317, %max3A_314, %broadcast_in_dim3A_318 : vector<256x2048xi1>, vector<256x2048xf32>
    %convert_element_type3A_320 = arith.truncf %select_n3A_319 : vector<256x2048xf32> to vector<256x2048xbf16>
    %roll3A_321 = arith.constant 1 : i32
    %roll3A_322 = tpu.dynamic_rotate %convert_element_type3A_320 by %roll3A_321 dim 1 : vector<256x2048xbf16>, i32 -> vector<256x2048xbf16>
    %roll3A_323 = arith.constant 2047 : i32
    %roll3A_324 = tpu.dynamic_rotate %convert_element_type3A_320 by %roll3A_323 dim 1 : vector<256x2048xbf16>, i32 -> vector<256x2048xbf16>
    %get3A_325 = arith.constant 3 : index
    %get3A_326 = arith.constant 0 : index
    %get3A_327 = arith.constant 0 : index
    %get3A_328 = arith.constant 0 : index
    %get3A_329 = vector.load %arg2[%get3A_325, %get3A_326, %get3A_327, %get3A_328] : memref<4x9x256x256xbf16, #tpu.memory_space<vmem>>, vector<1x1x256x256xbf16>
    %get3A_330 = vector.shape_cast %get3A_329 : vector<1x1x256x256xbf16> to vector<256x256xbf16>
    %dot_general3A_331 = arith.constant dense<0.000000e+00> : vector<256x2048xf32>
    %dot_general3A_332 = tpu.matmul %get3A_330, %roll3A_322, %dot_general3A_331 {dimension_numbers = #tpu.dot_dimension_numbers<[1], [0], [0], [1], [0, 0, 1, 1], [], []>, transpose_lhs_hint = false} : vector<256x256xbf16>, vector<256x2048xbf16>, vector<256x2048xf32> -> vector<256x2048xf32>
    %get3A_333 = arith.constant 3 : index
    %get3A_334 = arith.constant 1 : index
    %get3A_335 = arith.constant 0 : index
    %get3A_336 = arith.constant 0 : index
    %get3A_337 = vector.load %arg2[%get3A_333, %get3A_334, %get3A_335, %get3A_336] : memref<4x9x256x256xbf16, #tpu.memory_space<vmem>>, vector<1x1x256x256xbf16>
    %get3A_338 = vector.shape_cast %get3A_337 : vector<1x1x256x256xbf16> to vector<256x256xbf16>
    %dot_general3A_339 = arith.constant dense<0.000000e+00> : vector<256x2048xf32>
    %dot_general3A_340 = tpu.matmul %get3A_338, %convert_element_type3A_320, %dot_general3A_339 {dimension_numbers = #tpu.dot_dimension_numbers<[1], [0], [0], [1], [0, 0, 1, 1], [], []>, transpose_lhs_hint = false} : vector<256x256xbf16>, vector<256x2048xbf16>, vector<256x2048xf32> -> vector<256x2048xf32>
    %add3A_341 = arith.addf %dot_general3A_332, %dot_general3A_340 : vector<256x2048xf32>
    %get3A_342 = arith.constant 3 : index
    %get3A_343 = arith.constant 2 : index
    %get3A_344 = arith.constant 0 : index
    %get3A_345 = arith.constant 0 : index
    %get3A_346 = vector.load %arg2[%get3A_342, %get3A_343, %get3A_344, %get3A_345] : memref<4x9x256x256xbf16, #tpu.memory_space<vmem>>, vector<1x1x256x256xbf16>
    %get3A_347 = vector.shape_cast %get3A_346 : vector<1x1x256x256xbf16> to vector<256x256xbf16>
    %dot_general3A_348 = arith.constant dense<0.000000e+00> : vector<256x2048xf32>
    %dot_general3A_349 = tpu.matmul %get3A_347, %roll3A_324, %dot_general3A_348 {dimension_numbers = #tpu.dot_dimension_numbers<[1], [0], [0], [1], [0, 0, 1, 1], [], []>, transpose_lhs_hint = false} : vector<256x256xbf16>, vector<256x2048xbf16>, vector<256x2048xf32> -> vector<256x2048xf32>
    %add3A_350 = arith.addf %add3A_341, %dot_general3A_349 : vector<256x2048xf32>
    %roll3A_351 = arith.constant 16 : i32
    %roll3A_352 = tpu.dynamic_rotate %add3A_350 by %roll3A_351 dim 1 : vector<256x2048xf32>, i32 -> vector<256x2048xf32>
    %get3A_353 = arith.constant 3 : index
    %get3A_354 = arith.constant 3 : index
    %get3A_355 = arith.constant 0 : index
    %get3A_356 = arith.constant 0 : index
    %get3A_357 = vector.load %arg2[%get3A_353, %get3A_354, %get3A_355, %get3A_356] : memref<4x9x256x256xbf16, #tpu.memory_space<vmem>>, vector<1x1x256x256xbf16>
    %get3A_358 = vector.shape_cast %get3A_357 : vector<1x1x256x256xbf16> to vector<256x256xbf16>
    %dot_general3A_359 = arith.constant dense<0.000000e+00> : vector<256x2048xf32>
    %dot_general3A_360 = tpu.matmul %get3A_358, %roll3A_322, %dot_general3A_359 {dimension_numbers = #tpu.dot_dimension_numbers<[1], [0], [0], [1], [0, 0, 1, 1], [], []>, transpose_lhs_hint = false} : vector<256x256xbf16>, vector<256x2048xbf16>, vector<256x2048xf32> -> vector<256x2048xf32>
    %get3A_361 = arith.constant 3 : index
    %get3A_362 = arith.constant 4 : index
    %get3A_363 = arith.constant 0 : index
    %get3A_364 = arith.constant 0 : index
    %get3A_365 = vector.load %arg2[%get3A_361, %get3A_362, %get3A_363, %get3A_364] : memref<4x9x256x256xbf16, #tpu.memory_space<vmem>>, vector<1x1x256x256xbf16>
    %get3A_366 = vector.shape_cast %get3A_365 : vector<1x1x256x256xbf16> to vector<256x256xbf16>
    %dot_general3A_367 = arith.constant dense<0.000000e+00> : vector<256x2048xf32>
    %dot_general3A_368 = tpu.matmul %get3A_366, %convert_element_type3A_320, %dot_general3A_367 {dimension_numbers = #tpu.dot_dimension_numbers<[1], [0], [0], [1], [0, 0, 1, 1], [], []>, transpose_lhs_hint = false} : vector<256x256xbf16>, vector<256x2048xbf16>, vector<256x2048xf32> -> vector<256x2048xf32>
    %add3A_369 = arith.addf %dot_general3A_360, %dot_general3A_368 : vector<256x2048xf32>
    %get3A_370 = arith.constant 3 : index
    %get3A_371 = arith.constant 5 : index
    %get3A_372 = arith.constant 0 : index
    %get3A_373 = arith.constant 0 : index
    %get3A_374 = vector.load %arg2[%get3A_370, %get3A_371, %get3A_372, %get3A_373] : memref<4x9x256x256xbf16, #tpu.memory_space<vmem>>, vector<1x1x256x256xbf16>
    %get3A_375 = vector.shape_cast %get3A_374 : vector<1x1x256x256xbf16> to vector<256x256xbf16>
    %dot_general3A_376 = arith.constant dense<0.000000e+00> : vector<256x2048xf32>
    %dot_general3A_377 = tpu.matmul %get3A_375, %roll3A_324, %dot_general3A_376 {dimension_numbers = #tpu.dot_dimension_numbers<[1], [0], [0], [1], [0, 0, 1, 1], [], []>, transpose_lhs_hint = false} : vector<256x256xbf16>, vector<256x2048xbf16>, vector<256x2048xf32> -> vector<256x2048xf32>
    %add3A_378 = arith.addf %add3A_369, %dot_general3A_377 : vector<256x2048xf32>
    %add3A_379 = arith.addf %roll3A_352, %add3A_378 : vector<256x2048xf32>
    %get3A_380 = arith.constant 3 : index
    %get3A_381 = arith.constant 6 : index
    %get3A_382 = arith.constant 0 : index
    %get3A_383 = arith.constant 0 : index
    %get3A_384 = vector.load %arg2[%get3A_380, %get3A_381, %get3A_382, %get3A_383] : memref<4x9x256x256xbf16, #tpu.memory_space<vmem>>, vector<1x1x256x256xbf16>
    %get3A_385 = vector.shape_cast %get3A_384 : vector<1x1x256x256xbf16> to vector<256x256xbf16>
    %dot_general3A_386 = arith.constant dense<0.000000e+00> : vector<256x2048xf32>
    %dot_general3A_387 = tpu.matmul %get3A_385, %roll3A_322, %dot_general3A_386 {dimension_numbers = #tpu.dot_dimension_numbers<[1], [0], [0], [1], [0, 0, 1, 1], [], []>, transpose_lhs_hint = false} : vector<256x256xbf16>, vector<256x2048xbf16>, vector<256x2048xf32> -> vector<256x2048xf32>
    %get3A_388 = arith.constant 3 : index
    %get3A_389 = arith.constant 7 : index
    %get3A_390 = arith.constant 0 : index
    %get3A_391 = arith.constant 0 : index
    %get3A_392 = vector.load %arg2[%get3A_388, %get3A_389, %get3A_390, %get3A_391] : memref<4x9x256x256xbf16, #tpu.memory_space<vmem>>, vector<1x1x256x256xbf16>
    %get3A_393 = vector.shape_cast %get3A_392 : vector<1x1x256x256xbf16> to vector<256x256xbf16>
    %dot_general3A_394 = arith.constant dense<0.000000e+00> : vector<256x2048xf32>
    %dot_general3A_395 = tpu.matmul %get3A_393, %convert_element_type3A_320, %dot_general3A_394 {dimension_numbers = #tpu.dot_dimension_numbers<[1], [0], [0], [1], [0, 0, 1, 1], [], []>, transpose_lhs_hint = false} : vector<256x256xbf16>, vector<256x2048xbf16>, vector<256x2048xf32> -> vector<256x2048xf32>
    %add3A_396 = arith.addf %dot_general3A_387, %dot_general3A_395 : vector<256x2048xf32>
    %get3A_397 = arith.constant 3 : index
    %get3A_398 = arith.constant 8 : index
    %get3A_399 = arith.constant 0 : index
    %get3A_400 = arith.constant 0 : index
    %get3A_401 = vector.load %arg2[%get3A_397, %get3A_398, %get3A_399, %get3A_400] : memref<4x9x256x256xbf16, #tpu.memory_space<vmem>>, vector<1x1x256x256xbf16>
    %get3A_402 = vector.shape_cast %get3A_401 : vector<1x1x256x256xbf16> to vector<256x256xbf16>
    %dot_general3A_403 = arith.constant dense<0.000000e+00> : vector<256x2048xf32>
    %dot_general3A_404 = tpu.matmul %get3A_402, %roll3A_324, %dot_general3A_403 {dimension_numbers = #tpu.dot_dimension_numbers<[1], [0], [0], [1], [0, 0, 1, 1], [], []>, transpose_lhs_hint = false} : vector<256x256xbf16>, vector<256x2048xbf16>, vector<256x2048xf32> -> vector<256x2048xf32>
    %add3A_405 = arith.addf %add3A_396, %dot_general3A_404 : vector<256x2048xf32>
    %roll3A_406 = arith.constant 2032 : i32
    %roll3A_407 = tpu.dynamic_rotate %add3A_405 by %roll3A_406 dim 1 : vector<256x2048xf32>, i32 -> vector<256x2048xf32>
    %add3A_408 = arith.addf %add3A_379, %roll3A_407 : vector<256x2048xf32>
    %get3A_409 = arith.constant 0 : index
    %get3A_410 = arith.constant 3 : index
    %get3A_411 = vector.load %arg5[%get3A_409, %get3A_410] : memref<1024x8xf32, #tpu.memory_space<vmem>>, vector<256x1xf32>
    %add3A_412 = vector.broadcast %get3A_411 : vector<256x1xf32> to vector<256x2048xf32>
    %add3A_413 = arith.addf %add3A_408, %add3A_412 : vector<256x2048xf32>
    %max3A_414 = arith.constant 0.000000e+00 : f32
    %max3A_415 = vector.broadcast %max3A_414 : f32 to vector<256x2048xf32>
    %max3A_416 = arith.maximumf %add3A_413, %max3A_415 : vector<256x2048xf32>
    %jit3A_417 = arith.constant 0.000000e+00 : f32
    %broadcast_in_dim3A_418 = vector.shape_cast %and3A_19 : vector<1x2048xi1> to vector<1x2048xi1>
    %broadcast_in_dim3A_419 = vector.broadcast %broadcast_in_dim3A_418 : vector<1x2048xi1> to vector<256x2048xi1>
    %broadcast_in_dim3A_420 = vector.broadcast %jit3A_417 : f32 to vector<256x2048xf32>
    %select_n3A_421 = arith.select %broadcast_in_dim3A_419, %max3A_416, %broadcast_in_dim3A_420 : vector<256x2048xi1>, vector<256x2048xf32>
    %convert_element_type3A_422 = arith.truncf %select_n3A_421 : vector<256x2048xf32> to vector<256x2048xbf16>
    %get3A_423 = arith.constant 0 : index
    %get3A_424 = arith.constant 0 : index
    %get3A_425 = vector.load %arg3[%get3A_423, %get3A_424] : memref<1024x256xbf16, #tpu.memory_space<vmem>>, vector<1024x256xbf16>
    %dot_general3A_426 = arith.constant dense<0.000000e+00> : vector<1024x2048xf32>
    %dot_general3A_427 = tpu.matmul %get3A_425, %convert_element_type3A_422, %dot_general3A_426 {dimension_numbers = #tpu.dot_dimension_numbers<[1], [0], [0], [1], [0, 0, 1, 1], [], []>, transpose_lhs_hint = false} : vector<1024x256xbf16>, vector<256x2048xbf16>, vector<1024x2048xf32> -> vector<1024x2048xf32>
    %get3A_428 = arith.constant 0 : index
    %get3A_429 = arith.constant 4 : index
    %get3A_430 = vector.load %arg5[%get3A_428, %get3A_429] : memref<1024x8xf32, #tpu.memory_space<vmem>>, vector<1024x1xf32>
    %add3A_431 = vector.broadcast %get3A_430 : vector<1024x1xf32> to vector<1024x2048xf32>
    %add3A_432 = arith.addf %dot_general3A_427, %add3A_431 : vector<1024x2048xf32>
    %max3A_433 = arith.constant 0.000000e+00 : f32
    %max3A_434 = vector.broadcast %max3A_433 : f32 to vector<1024x2048xf32>
    %max3A_435 = arith.maximumf %add3A_432, %max3A_434 : vector<1024x2048xf32>
    %get3A_436 = arith.constant 0 : index
    %get3A_437 = arith.constant 0 : index
    %get3A_438 = vector.load %arg4[%get3A_436, %get3A_437] : memref<16x1024xbf16, #tpu.memory_space<vmem>>, vector<16x1024xbf16>
    %convert_element_type3A_439 = arith.truncf %max3A_435 : vector<1024x2048xf32> to vector<1024x2048xbf16>
    %dot_general3A_440 = arith.constant dense<0.000000e+00> : vector<16x2048xf32>
    %dot_general3A_441 = tpu.matmul %get3A_438, %convert_element_type3A_439, %dot_general3A_440 {dimension_numbers = #tpu.dot_dimension_numbers<[1], [0], [0], [1], [0, 0, 1, 1], [], []>, transpose_lhs_hint = false} : vector<16x1024xbf16>, vector<1024x2048xbf16>, vector<16x2048xf32> -> vector<16x2048xf32>
    %get3A_442 = arith.constant 0 : index
    %get3A_443 = arith.constant 5 : index
    %get3A_444 = vector.load %arg5[%get3A_442, %get3A_443] : memref<1024x8xf32, #tpu.memory_space<vmem>>, vector<16x1xf32>
    %add3A_445 = vector.broadcast %get3A_444 : vector<16x1xf32> to vector<16x2048xf32>
    %add3A_446 = arith.addf %dot_general3A_441, %add3A_445 : vector<16x2048xf32>
    %logistic3A = arith.negf %add3A_446 : vector<16x2048xf32>
    %logistic3A_447 = math.exp %logistic3A : vector<16x2048xf32>
    %logistic3A_448 = arith.constant 1.000000e+00 : f32
    %logistic3A_449 = vector.broadcast %logistic3A_448 : f32 to vector<16x2048xf32>
    %logistic3A_450 = arith.addf %logistic3A_449, %logistic3A_447 : vector<16x2048xf32>
    %logistic3A_451 = arith.divf %logistic3A_449, %logistic3A_450 : vector<16x2048xf32>
    %swap3A = arith.constant 0 : index
    %swap3A_452 = arith.constant 0 : index
    %swap3A_453 = vector.load %arg6[%swap3A, %swap3A_452] : memref<16x2048xf32, #tpu.memory_space<vmem>>, vector<16x2048xf32>
    tpu.vector_store %arg6[%swap3A, %swap3A_452], %logistic3A_451 {strides = array<i32>} : memref<16x2048xf32, #tpu.memory_space<vmem>>, vector<16x2048xf32>,
    return
  }
  func.func @transform_0(%arg0: i32) -> (i32, i32) {
    %c0_i32 = arith.constant 0 : i32
    %c0_i32_0 = arith.constant 0 : i32
    return %c0_i32, %arg0 : i32, i32
  }
  func.func @transform_1(%arg0: i32) -> (i32, i32, i32, i32) {
    %c0_i32 = arith.constant 0 : i32
    %c0_i32_0 = arith.constant 0 : i32
    %c0_i32_1 = arith.constant 0 : i32
    %c0_i32_2 = arith.constant 0 : i32
    %c0_i32_3 = arith.constant 0 : i32
    return %c0_i32, %c0_i32_0, %c0_i32_1, %c0_i32_2 : i32, i32, i32, i32
  }
  func.func @transform_2(%arg0: i32) -> (i32, i32) {
    %c0_i32 = arith.constant 0 : i32
    %c0_i32_0 = arith.constant 0 : i32
    %c0_i32_1 = arith.constant 0 : i32
    return %c0_i32, %c0_i32_0 : i32, i32
  }
  func.func @transform_3(%arg0: i32) -> (i32, i32) {
    %c0_i32 = arith.constant 0 : i32
    %c0_i32_0 = arith.constant 0 : i32
    %c0_i32_1 = arith.constant 0 : i32
    return %c0_i32, %c0_i32_0 : i32, i32
  }
  func.func @transform_4(%arg0: i32) -> (i32, i32) {
    %c0_i32 = arith.constant 0 : i32
    %c0_i32_0 = arith.constant 0 : i32
    %c0_i32_1 = arith.constant 0 : i32
    return %c0_i32, %c0_i32_0 : i32, i32
  }
  func.func @transform_5(%arg0: i32) -> (i32, i32) {
    %c0_i32 = arith.constant 0 : i32
    %c0_i32_0 = arith.constant 0 : i32
    return %c0_i32, %arg0 : i32, i32
  }
}

</mosaic_0001>

<sc_bundles>
// kernel: sparse-core-data-format-call.1.cloned.1.call-start
scs
called_computation.1_lowered:
.L_overlay_start_0:
0x0: {  	s1 =	sld [smem:$0x3FD9]  }
0x1: {  	s2 =	sld [smem:$0x3FFE];
	_ =	sdelay $0x1  }
0x2: {  	s3 =	srdreg.scid  }
0x3: {  	s0 =	sand.u32 $0x1, s3  }
0x4: {  	s17 =	sshll.u32 s0, $0xA;
	s1 =	sadd.s32 s2, s1  }
0x5: {  	s1 =	sadd.s32 s1, s17  }
0x6: {  	[smem:$0x3FBB] =	sst s1  }
0x7: {  	_ = 	snop  }
0x8: {  	(tm) =	ssettm $0x1  }
0x9: {  	s18 =	sld [smem:$0x3FFB];
	_ =	sdelay $0x3  }
0xa: {  	_ =	strace s18  }
0xb: {  	s1 =	sld [smem:$0x3FFC];
	_ =	sdelay $0x3  }
0xc: {  	_ =	strace s1  }
0xd: {  	s1 =	sld [smem:$0x3FFD];
	_ =	sdelay $0x3  }
0xe: {  	_ =	strace s1  }
0xf: {  	_ =	strace $0x8FFFFFFF  }
0x10: {  	s19 =	sld [smem:$0x3FDB];
	_ =	sdelay $0x1  }
0x11: {  	s20 =	simm.s32 $_scs_section_size  }
0x12: {  	s4 =	simm.s32 $_size__tile_overlayer_lowered;
	s5 =	simm.s32 $_tile_overlayer_lowered  }
0x13: {  	s23 =	simm.s32 $0x1BFF;
	s22 =	sshll.u32 s5, $0x1;
	s1 =	sadd.s32 s20, s19  }
0x14: {  	s6 =	simm.s32 $0x0;
	s21 =	sshll.u32 s4, $0x1;
	s4 =	sadd.s32 s22, s1  }
0x15: {  	[timem:s6], [sflag:s23] =	dma.local [hbm:s4], s21  }
0x16: {  	_ =	swait.ge [sflag:s23], s21  }
0x17: {  	s2 =	ssub.s32 $0x0, s21;
	[sflag:s23] =	ssyncset.done $0x0  }
0x18: {  	[sflag:s23] =	ssyncadd.s32 s2;
	_ =	sdelay $0x1  }
0x19: {  	s24 =	simm.s32 $0x1B8B  }
0x1a: {  	_ =	swait.ge [sflag:s24], $0x1  }
0x1b: {  	[sflag:s24] =	ssyncset.done $0x0  }
0x1c: {  	s26 =	simm.s32 $0x1B8E;
	s25 =	sld [smem:$0x3FFE];
	[sflag:s24] =	ssyncadd.s32 $0xFFFFFFFF  }
0x1d: {  	s27 =	simm.s32 $execute0_lowered;
	[smem:$0x3FD2] =	sst s26  }
0x1e: {  	s4 =	sshll.u32 s27, $0x1;
	_ =	strace $0x80000046;
	[dreg:$0x1] =	wrdreg $0xFFFFFFFF  }
0x1f: {  	s28 =	simm.s32 $_size_execute0_lowered;
	s1 =	sadd.s32 s1, s4;
	[dreg:$0x0] =	wrdreg $0x0  }
0x20: {  	s4 =	sshll.u32 s28, $0x1;
	[dreg:$0x2] =	wrdreg s1  }
0x21: {  	[dreg:$0x3] =	wrdreg s4  }
0x22: {  	[dreg:$0x4] =	wrdreg $0xC0  }
0x23: {  	_ =	task [dreg:s6], $0x5FFFF  }
0x24: {  	[dreg:$0x1] =	wrdreg $0xFFFFFFFF  }
0x25: {  	[dreg:$0x0] =	wrdreg $0x60  }
0x26: {  	[dreg:$0x2] =	wrdreg s25  }
0x27: {  	[dreg:$0x3] =	wrdreg $0x9  }
0x28: {  	_ =	task.clear_ibuf [dreg:s6], $0x4FFFF;
	_ =	strace $0x90000046  }
0x29: {  	s29 =	simm.s32 $0x9;
	_ =	strace $0x80000048  }
0x2a: {  	_ =	swait.ge [sflag:s29], $0x1  }
0x2b: {  	[sflag:s29] =	ssyncadd.s32 $0xFFFFFFFF  }
0x2c: {  	_ =	strace $0x90000048  }
0x2d: {  	_ =	sfence  }
0x2e: {  	s30 =	sld [smem:$0x0];
	_ =	sdelay $0x2  }
0x2f: {  	s31 =	sshll.u32 s3, $0xD;
	s3 =	sshrl.u32 s3, $0x2  }
0x30: {  	s2 =	sand.u32 $0x4000, s31;
	s1 =	sadd.s32 s3, s30  }
0x31: {  	s0 =	sor.u32 s2, s0;
	s1 =	sshll.u32 s1, $0x11  }
0x32: {  	s0 =	sor.u32 s1, s0  }
0x33: {  	s0 =	sadd.s32 $0x8F2B, s0  }
0x34: {  	[sflag:s0] =	ssyncadd.remote.s32 $0x1  }
0x35: {  	_ =	sfence.sel $0xFFFF  }
0x36: {  	[dreg:$0x0] =	wrdreg $0xFFFFFFFF;
	(pc) =	sbr.abs _section_cstart, $3  }
0x37: {  	[dreg:$0x1] =	wrdreg $0xFFFFFFFF  }
0x38: {  	_ =	task.clear_ibuf [dreg:s6], $0x2FFFF;
	_ =	strace $0x9FFFFFFF  }
0x39: {  	(tm) =	ssettm $0x7FFFFFFF  }
tec
execute0_lowered:
.L_overlay_start_1:
0x0: {  	(tag) =	ssettag $0x1  }
0x1: {  	s0 =	stileid.u32  }
0x2: {  	s1 =	srdreg.scid;
	s7 =	rddreg [dreg:$0x0]  }
0x3: {  	s9 =	simm.s32 $0x2;
	s2 =	sshll.u32 s0, $0x7;
	s3 =	sshll.u32 s1, $0x7  }
0x4: {  	s16 =	simm.s32 $0x0;
	s1 =	sand.u32 $0x80, s2;
	s2 =	sand.u32 $0x80, s3  }
0x5: {  	p0 =	por $0x0, $0x0;
	s31 =	ssub.s32 $0x100, s1;
	s4 =	ssub.s32 $0x100, s2  }
0x6: {  	s5 =	sshrl.u32 s31, $0x8;
	s3 =	sshrl.u32 s31, $0x7;
	s6 =	sshrl.u32 s4, $0x7  }
0x7: {  	s4 =	sshrl.u32 s4, $0x8;
	s3 =	sand.u32 $0x1, s3;
	s6 =	sand.u32 $0x1, s6  }
0x8: {  	s11 =	simm.s32 $0xC800;
	s5 =	sadd.s32 s5, s3;
	s4 =	sadd.s32 s4, s6  }
0x9: {  	s17 =	simm.s32 $0x0;
	s15 =	simm.s32 $0x0;
	s8 =	smul.u32 s4, s5  }
.Ltmp0:
0xa: {  	s14 =	simm.s32 $0x0;
	s3 =	rddreg [dreg:$0x1];
	(pc) =	sbr.rel .LBB1_1-.Ltmp0, $4  }
0xb: {  	_ =	strace $0x80000047;
	s6 =	simm.s32 $0x1;
	s4 =	sadd.s32 $0x1A00, s7  }
0xc: {  	s5 =	sadd.s32 $0x191A00, s7;
	[sflag:s6] =	ssyncpa.u1 $0x0;
	s7 =	smul.u32 $0x19, s8  }
0xd: {  	s13 =	smov.u32 s1;
	[sflag:s9] =	ssyncpa.u1 $0x0;
	s8 =	sshrl.u32 s0, $0x1  }
0xe: {  	s9 =	sshll.u32 s2, $0x3;
	s12 =	smov.u32 s8;
	s10 =	sadd.s32 $0x1, s7  }
.LBB1_4:
0xf: {  	s23 =	sshll.u32 s17, $0x8;
	s24 =	sshll.u32 s15, $0x3;
	v5 =	vld [tilespmem:s21+$0xFFFFFFD0];
	[tilespmem:s20+$0x2040 ss:$0x81] =	vst.msk $0xffff, v4  }
0x10: {  	s25 =	sshll.u32 s17, $0x7;
	v58 =	vld [tilespmem:s21+$0xFFFFFFE0];
	[tilespmem:s20+$0x2850 ss:$0x81] =	vst.msk $0xffff, v3;
	s23 =	sand.u32 $0xFFFFF800, s23;
	s24 =	sand.u32 $0xFFFFFC00, s24  }
0x11: {  	s22 =	sshra.s32 s22, $0x2;
	v59 =	vld [tilespmem:s21+$0xFFFFFFF0];
	[tilespmem:s20+$0x3060 ss:$0x81] =	vst.msk $0xffff, v2;
	s26 =	sand.u32 $0x300, s25;
	s23 =	sadd.s32 s24, s23  }
0x12: {  	v60 =	vld [tilespmem:s21+$0x0];
	[tilespmem:s20+$0x0 ss:$0x81] =	vst.msk $0xffff, v0;
	s19 =	sadd.s32 s22, s19;
	s23 =	sor.u32 s26, s23  }
0x13: {  	v61 =	vld [tilespmem:s21+$0x10];
	[tilespmem:s19+$0x3870 ss:$0x81] =	vst.msk $0xffff, v1;
	s27 =	sshrl.u32 s23, $0x8  }
0x14: {  	v62 =	vld [tilespmem:s21+$0x20];
	s28 =	smulhi.u32 $0x147AE15, s27;
	[tilespmem:s19+$0x810 ss:$0x81] =	vst.msk $0xffff, v5  }
0x15: {  	v63 =	vld [tilespmem:s21+$0xFFFFFFC0];
	s16 =	smul.u32 $0x1900, s16;
	[tilespmem:s19+$0x1020 ss:$0x81] =	vst.msk $0xffff, v58  }
0x16: {  	s30 =	sand.u32 $0x78, s15;
	s17 =	sand.u32 $0x80, s25;
	[tilespmem:s19+$0x1830 ss:$0x81] =	vst.msk $0xffff, v59;
	s29 =	smul.u32 $0xC8, s28  }
0x17: {  	s31 =	sand.u32 $0x7, s15;
	s17 =	sor.u32 s30, s17;
	[tilespmem:s19+$0x2040 ss:$0x81] =	vst.msk $0xffff, v60  }
0x18: {  	s16 =	sadd.s32 s5, s16;
	s17 =	sshrl.u32 s17, $0x3;
	[tilespmem:s19+$0x2850 ss:$0x81] =	vst.msk $0xffff, v61;
	s20 =	ssub.s32 s27, s29  }
0x19: {  	s15 =	sshll.u32 s31, $0x12;
	s16 =	sadd.s32 s17, s16;
	[tilespmem:s19+$0x3060 ss:$0x81] =	vst.msk $0xffff, v62;
	s20 =	sshll.u32 s20, $0x5  }
0x1a: {  	s15 =	sor.u32 $0x80, s15;
	[tilespmem:s19+$0x0 ss:$0x81] =	vst.msk $0xffff, v63;
	s16 =	sadd.s32 s20, s16  }
0x1b: {  	[hbm4b:s16+s15] =	stream.strided.scatter [tilespmem:s18], [sflag:$0x2], $0x4000, s11, s15, $0x20;
	[tilespmem:$0x10100] =	vst v63  }
.LBB1_5:
0x1c: {  	s18 =	sadd.s32 $0x8, s12  }
0x1d: {  	s15 =	sadd.s32 $0x100, s13;
	s19 =	smov.u32 s13;
	p2 =	sgt.s32 s18, $0xC7  }
0x1e: {  	s19 =	smov.u32 @p2 s15  }
0x1f: {  	s18 =	smov.u32 @p2 s8;
	p2 =	sgt.s32 s19, $0xFF  }
0x20: {  	s19 =	smov.u32 @p2 s1;
	p2 =	sne.s32 s14, s10  }
.Ltmp1:
0x21: {  	p1 =	slt.u32 s14, $0x2;
	(pc) =	sbr.rel @!p2 .LBB1_6-.Ltmp1, $4  }
0x22: {  	s17 =	smov.u32 s12;
	s16 =	simm.s32 @!p1 $0x2  }
0x23: {  	p0 =	por !p0, !p0;
	_ =	swait.ge @!p1 [sflag:s16], $0x4000;
	s15 =	smov.u32 s13  }
0x24: {  	[sflag:s16] =	ssyncset.done @!p1 $0x0;
	s12 =	smov.u32 s18;
	s14 =	sadd.s32 $0x1, s14  }
0x25: {  	[sflag:s16] =	ssyncadd.s32 @!p1 $0xFFFFC000;
	s16 =	smov.u32 s2;
	s13 =	smov.u32 s19  }
.LBB1_1:
0x26: {  	p1 =	sge.u32 s14, s7  }
0x27: {  	s18 =	sshll.u32 @!p1 s12, $0x8  }
0x28: {  	s19 =	sshll.u32 @!p1 s12, $0x7;
	s18 =	sand.u32 @!p1 $0xFFFFF800, s18  }
0x29: {  	s19 =	sand.u32 @!p1 $0x300, s19;
	s18 =	sor.u32 @!p1 s9, s18  }
0x2a: {  	s18 =	sor.u32 @!p1 s19, s18  }
0x2b: {  	s18 =	sshrl.u32 @!p1 s18, $0x8  }
0x2c: {  	s19 =	smulhi.u32 @!p1 $0x147AE15, s18;
	_ =	sdelay $0x1  }
0x2d: {  	s19 =	smul.u32 @!p1 $0xC8, s19  }
0x2e: {  	s31 =	sadd.s32 $0xFFFFFFFF, s14;
	s20 =	smul.u32 @!p1 $0x1900, s13  }
0x2f: {  	s21 =	sxor.u32 @!p1 $0xFFFFFFFF, s14;
	s18 =	ssub.s32 @!p1 s18, s19;
	s19 =	sshll.u32 @!p1 s12, $0x4  }
0x30: {  	s21 =	sshll.u32 @!p1 s21, $0xE;
	s20 =	sadd.s32 @!p1 s4, s20;
	s19 =	sand.u32 @!p1 $0x10, s19  }
0x31: {  	s21 =	sand.u32 @!p1 $0x4000, s21;
	s18 =	sshll.u32 @!p1 s18, $0x5;
	s19 =	sadd.s32 @!p1 s19, s20  }
0x32: {  	s20 =	simm.s32 @!p1 $0xC800;
	s18 =	sadd.s32 @!p1 s18, s19;
	s19 =	simm.s32 @!p1 $0x80  }
0x33: {  	[tilespmem:s21], [sflag:$0x1] =	stream.strided.gather @!p1 [hbm4b:s18+s19], $0x4000, s20, s19, $0x38;
	[tilespmem:$0x10100] =	vst v63  }
0x34: {  	p1 =	sge.u32 s31, s7  }
.Ltmp2:
0x35: {  	_ = 	snop;
	(pc) =	sbr.rel @p1 .LBB1_5-.Ltmp2, $1  }
0x36: {  	_ =	sdelay $0x3  }
0x37: {  	s18 =	simm.s32 $0x1  }
0x38: {  	_ =	swait.ge [sflag:s6], $0x4000;
	s18 =	simm.s32 @!p0 $0x0  }
0x39: {  	[sflag:s6] =	ssyncset.done $0x0;
	s19 =	sshll.u32 s18, $0xE  }
0x3a: {  	[sflag:s6] =	ssyncadd.s32 $0xFFFFC000;
	s21 =	sor.u32 $0x40, s19  }
0x3b: {  	s18 =	smul.u32 $0x10200, s18;
	v0 =	vld [tilespmem:s21+$0x30]  }
0x3c: {  	v1 =	vld [tilespmem:s21+$0xFFFFFFD0]  }
0x3d: {  	s18 =	sshrl.u32 s18, $0x2;
	v5 =	vld [tilespmem:s21+$0xFFFFFFE0]  }
0x3e: {  	v6 =	vld [tilespmem:s21+$0xFFFFFFF0];
	s19 =	sor.u32 $0x8000, s18  }
0x3f: {  	s31 =	sand.u32 $0x1, s14;
	v4 =	vld [tilespmem:s21+$0x0];
	s20 =	sadd.s32 $0x0, s19  }
0x40: {  	v3 =	vld [tilespmem:s21+$0x10];
	s18 =	smul.u32 $0x10200, s31;
	[tilespmem:s20+$0x3870 ss:$0x81] =	vst.msk $0xffff, v0  }
0x41: {  	v2 =	vld [tilespmem:s21+$0x20];
	[tilespmem:s20+$0x810 ss:$0x81] =	vst.msk $0xffff, v1  }
0x42: {  	s18 =	sshrl.u32 s18, $0x2;
	v0 =	vld [tilespmem:s21+$0xFFFFFFC0];
	[tilespmem:s20+$0x1020 ss:$0x81] =	vst.msk $0xffff, v5;
	s21 =	sadd.s32 $0x80, s21  }
0x43: {  	s22 =	simm.s32 $0x4;
	s23 =	simm.s32 $0x8;
	s18 =	sor.u32 $0x8000, s18;
	[tilespmem:s20+$0x1830 ss:$0x81] =	vst.msk $0xffff, v6;
	v1 =	vld [tilespmem:s21+$0x30]  }
.LBB1_3:
0x44: {  	p1 =	sne.s32 s23, $0x1FC;
	v5 =	vld [tilespmem:s21+$0xFFFFFFD0];
	[tilespmem:s20+$0x2040 ss:$0x81] =	vst.msk $0xffff, v4  }
0x45: {  	v6 =	vld [tilespmem:s21+$0xFFFFFFE0];
	[tilespmem:s20+$0x2850 ss:$0x81] =	vst.msk $0xffff, v3  }
0x46: {  	s24 =	sshra.s32 s22, $0x2;
	s22 =	smov.u32 s23;
	v7 =	vld [tilespmem:s21+$0xFFFFFFF0];
	[tilespmem:s20+$0x3060 ss:$0x81] =	vst.msk $0xffff, v2  }
.Ltmp3:
0x47: {  	v4 =	vld [tilespmem:s21+$0x0];
	[tilespmem:s20+$0x0 ss:$0x81] =	vst.msk $0xffff, v0;
	s20 =	sadd.s32 s24, s19;
	(pc) =	sbr.rel @p1 .LBB1_3-.Ltmp3, $4  }
0x48: {  	v3 =	vld [tilespmem:s21+$0x10];
	[tilespmem:s20+$0x3870 ss:$0x81] =	vst.msk $0xffff, v1  }
0x49: {  	[tilespmem:s20+$0x810 ss:$0x81] =	vst.msk $0xffff, v5;
	v2 =	vld [tilespmem:s21+$0x20]  }
0x4a: {  	v0 =	vld [tilespmem:s21+$0xFFFFFFC0];
	[tilespmem:s20+$0x1020 ss:$0x81] =	vst.msk $0xffff, v6;
	s21 =	sadd.s32 $0x80, s21  }
0x4b: {  	s23 =	sadd.s32 $0x4, s23;
	v1 =	vld [tilespmem:s21+$0x30];
	[tilespmem:s20+$0x1830 ss:$0x81] =	vst.msk $0xffff, v7  }
.Ltmp4:
0x4c: {  	_ = 	snop;
	(pc) =	sbr.rel .LBB1_4-.Ltmp4, $1  }
0x4d: {  	_ =	sdelay $0x3  }
.LBB1_6:
0x4e: {  	_ =	sfence.sel $0x180000  }
0x4f: {  	s1 =	simm.s32 $0x1;
	[bflag:$0x0] =	sbarrier.arrive $0xFFFF  }
0x50: {  	s31 =	simm.s32 $0x2;
	[sflag:s1] =	ssyncpa.u1 $0x1  }
0x51: {  	[sflag:s31] =	ssyncpa.u1 $0x1  }
0x52: {  	p0 =	sne.s32 s0, $0x0;
	_ =	strace $0x90000047  }
0x53: {  	s0 =	sadd.s32 @!p0 $0x100000, s3;
	[bflag:$0x2] =	sbarrier.arrive $0xFFFF  }
0x54: {  	[sflag:s0] =	ssyncadd.tile.s32 @!p0 $0x1;
	_ =	shalt  }
.Lfunc_end1:
_tile_overlayer_lowered:
.L_overlay_start_2:
0x55: {  	(tag) =	ssettag $0x2  }
0x56: {  	s0 =	rddreg [dreg:$0x0];
	s2 =	stileid.u32  }
0x57: {  	s1 =	rddreg [dreg:$0x1];
	p0 =	sne.s32 s2, $0x0  }
0x58: {  	s3 =	rddreg [dreg:$0x2];
	[bflag:$0x3] =	sbarrier.arrive $0xFFFF;
	s2 =	simm.s32 @!p0 $0x1C01  }
0x59: {  	[timem:s3], [sflag:s2] =	dma.local @!p0 [hbm:s0], s1  }
0x5a: {  	s0 =	simm.s32 @!p0 $0x1  }
0x5b: {  	_ =	swait.ge @!p0 [sflag:s0], s1  }
0x5c: {  	s1 =	ssub.s32 @!p0 $0x0, s1;
	[sflag:s0] =	ssyncset.done @!p0 $0x0  }
0x5d: {  	[sflag:s0] =	ssyncadd.s32 @!p0 s1  }
0x5e: {  	[bflag:$0x3] =	sbarrier.arrive $0xFFFF  }
0x5f: {  	_ =	shalt  }

// kernel: sparse-core-data-format-call.cloned.1.call-start
scs
called_computation_lowered:
.L_overlay_start_0:
0x0: {  	s1 =	sld [smem:$0x3FD9]  }
0x1: {  	s2 =	sld [smem:$0x3FFE];
	_ =	sdelay $0x1  }
0x2: {  	s3 =	srdreg.scid  }
0x3: {  	s0 =	sand.u32 $0x1, s3  }
0x4: {  	s17 =	sshll.u32 s0, $0xA;
	s1 =	sadd.s32 s2, s1  }
0x5: {  	s1 =	sadd.s32 s1, s17  }
0x6: {  	[smem:$0x3FBB] =	sst s1  }
0x7: {  	_ = 	snop  }
0x8: {  	(tm) =	ssettm $0x1  }
0x9: {  	s18 =	sld [smem:$0x3FFB];
	_ =	sdelay $0x3  }
0xa: {  	_ =	strace s18  }
0xb: {  	s1 =	sld [smem:$0x3FFC];
	_ =	sdelay $0x3  }
0xc: {  	_ =	strace s1  }
0xd: {  	s1 =	sld [smem:$0x3FFD];
	_ =	sdelay $0x3  }
0xe: {  	_ =	strace s1  }
0xf: {  	_ =	strace $0x8FFFFFFF  }
0x10: {  	s19 =	sld [smem:$0x3FDB];
	_ =	sdelay $0x1  }
0x11: {  	s20 =	simm.s32 $_scs_section_size  }
0x12: {  	s4 =	simm.s32 $_size__tile_overlayer_lowered;
	s5 =	simm.s32 $_tile_overlayer_lowered  }
0x13: {  	s23 =	simm.s32 $0x1BFF;
	s22 =	sshll.u32 s5, $0x1;
	s1 =	sadd.s32 s20, s19  }
0x14: {  	s6 =	simm.s32 $0x0;
	s21 =	sshll.u32 s4, $0x1;
	s4 =	sadd.s32 s22, s1  }
0x15: {  	[timem:s6], [sflag:s23] =	dma.local [hbm:s4], s21  }
0x16: {  	_ =	swait.ge [sflag:s23], s21  }
0x17: {  	s2 =	ssub.s32 $0x0, s21;
	[sflag:s23] =	ssyncset.done $0x0  }
0x18: {  	[sflag:s23] =	ssyncadd.s32 s2;
	_ =	sdelay $0x1  }
0x19: {  	s24 =	simm.s32 $0x1B8B  }
0x1a: {  	_ =	swait.ge [sflag:s24], $0x1  }
0x1b: {  	[sflag:s24] =	ssyncset.done $0x0  }
0x1c: {  	s26 =	simm.s32 $0x1B8E;
	s25 =	sld [smem:$0x3FFE];
	[sflag:s24] =	ssyncadd.s32 $0xFFFFFFFF  }
0x1d: {  	s27 =	simm.s32 $execute0_lowered;
	[smem:$0x3FD2] =	sst s26  }
0x1e: {  	s4 =	sshll.u32 s27, $0x1;
	_ =	strace $0x80000049;
	[dreg:$0x1] =	wrdreg $0xFFFFFFFF  }
0x1f: {  	s28 =	simm.s32 $_size_execute0_lowered;
	s1 =	sadd.s32 s1, s4;
	[dreg:$0x0] =	wrdreg $0x0  }
0x20: {  	s4 =	sshll.u32 s28, $0x1;
	[dreg:$0x2] =	wrdreg s1  }
0x21: {  	[dreg:$0x3] =	wrdreg s4  }
0x22: {  	[dreg:$0x4] =	wrdreg $0xC0  }
0x23: {  	_ =	task [dreg:s6], $0x5FFFF  }
0x24: {  	[dreg:$0x1] =	wrdreg $0xFFFFFFFF  }
0x25: {  	[dreg:$0x0] =	wrdreg $0x60  }
0x26: {  	[dreg:$0x2] =	wrdreg s25  }
0x27: {  	[dreg:$0x3] =	wrdreg $0x9  }
0x28: {  	_ =	task.clear_ibuf [dreg:s6], $0x4FFFF;
	_ =	strace $0x90000049  }
0x29: {  	s29 =	simm.s32 $0x9;
	_ =	strace $0x8000004B  }
0x2a: {  	_ =	swait.ge [sflag:s29], $0x1  }
0x2b: {  	[sflag:s29] =	ssyncadd.s32 $0xFFFFFFFF  }
0x2c: {  	_ =	strace $0x9000004B  }
0x2d: {  	_ =	sfence  }
0x2e: {  	s30 =	sld [smem:$0x0];
	_ =	sdelay $0x2  }
0x2f: {  	s31 =	sshll.u32 s3, $0xD;
	s3 =	sshrl.u32 s3, $0x2  }
0x30: {  	s2 =	sand.u32 $0x4000, s31;
	s1 =	sadd.s32 s3, s30  }
0x31: {  	s0 =	sor.u32 s2, s0;
	s1 =	sshll.u32 s1, $0x11  }
0x32: {  	s0 =	sor.u32 s1, s0  }
0x33: {  	s0 =	sadd.s32 $0x8F2B, s0  }
0x34: {  	[sflag:s0] =	ssyncadd.remote.s32 $0x1  }
0x35: {  	_ =	sfence.sel $0xFFFF  }
0x36: {  	[dreg:$0x0] =	wrdreg $0xFFFFFFFF;
	(pc) =	sbr.abs _section_cstart, $3  }
0x37: {  	[dreg:$0x1] =	wrdreg $0xFFFFFFFF  }
0x38: {  	_ =	task.clear_ibuf [dreg:s6], $0x2FFFF;
	_ =	strace $0x9FFFFFFF  }
0x39: {  	(tm) =	ssettm $0x7FFFFFFF  }
tec
execute0_lowered:
.L_overlay_start_1:
0x0: {  	(tag) =	ssettag $0x1  }
0x1: {  	s1 =	rddreg [dreg:$0x0]  }
0x2: {  	s0 =	rddreg [dreg:$0x1];
	_ =	strace $0x8000004A;
	s4 =	srdreg.scid  }
0x3: {  	s6 =	simm.s32 $0x2;
	p0 =	por $0x0, $0x0;
	s11 =	simm.s32 $0x0  }
0x4: {  	s12 =	simm.s32 $0x0;
	s13 =	simm.s32 $0x0;
	s8 =	simm.s32 $0x0  }
.Ltmp0:
0x5: {  	s9 =	simm.s32 $0x0;
	s7 =	simm.s32 $0x0;
	(pc) =	sbr.rel .LBB1_1-.Ltmp0, $4  }
0x6: {  	s2 =	sadd.s32 $0x191A00, s1;
	s3 =	sadd.s32 $0x1A00, s1;
	s4 =	sshll.u32 s4, $0x4  }
0x7: {  	s1 =	stileid.u32;
	s5 =	sand.u32 $0x10, s4;
	s4 =	simm.s32 $0x1  }
0x8: {  	s19 =	simm.s32 $0x0;
	s5 =	sor.u32 s1, s5;
	[sflag:s4] =	ssyncpa.u1 $0x0  }
0x9: {  	[sflag:s6] =	ssyncpa.u1 $0x0;
	s6 =	simm.s32 $0x0;
	s10 =	smov.u32 s5  }
.LBB1_7:
0xa: {  	s14 =	sadd.s32 $0x8, s8  }
0xb: {  	s11 =	sadd.s32 $0x8, s9;
	s15 =	smov.u32 s9;
	p2 =	sgt.s32 s14, $0xC7  }
0xc: {  	s15 =	smov.u32 @p2 s11  }
0xd: {  	s17 =	smov.u32 s10;
	s11 =	sadd.s32 $0x20, s10;
	p3 =	sgt.s32 s15, $0x7  }
0xe: {  	p1 =	slt.u32 s7, $0x2;
	s17 =	smov.u32 @p3 s11  }
0xf: {  	s7 =	sadd.s32 $0x1, s7;
	s14 =	simm.s32 @p2 $0x0;
	p2 =	sgt.s32 s17, $0x1F  }
0x10: {  	s17 =	smov.u32 @p2 s5;
	p2 =	sne.s32 s7, $0x1B  }
.Ltmp1:
0x11: {  	s16 =	simm.s32 @!p1 $0x2;
	(pc) =	sbr.rel @!p2 .LBB1_8-.Ltmp1, $4  }
0x12: {  	s12 =	smov.u32 s9;
	_ =	swait.ge @!p1 [sflag:s16], $0x4000  }
0x13: {  	s13 =	smov.u32 s10;
	p0 =	por !p0, !p0;
	[sflag:s16] =	ssyncset.done @!p1 $0x0  }
0x14: {  	s15 =	simm.s32 @p3 $0x0;
	s11 =	smov.u32 s8;
	[sflag:s16] =	ssyncadd.s32 @!p1 $0xFFFFC000  }
0x15: {  	s8 =	smov.u32 s14;
	s9 =	smov.u32 s15;
	s10 =	smov.u32 s17  }
.LBB1_1:
0x16: {  	p1 =	sgt.u32 s7, $0x18  }
0x17: {  	s14 =	sshll.u32 @!p1 s8, $0x8;
	s15 =	sshll.u32 @!p1 s8, $0x7  }
0x18: {  	s14 =	sand.u32 @!p1 $0xFFFFF800, s14;
	s15 =	sand.u32 @!p1 $0x300, s15  }
0x19: {  	s14 =	sor.u32 @!p1 s15, s14  }
0x1a: {  	s14 =	sshrl.u32 @!p1 s14, $0x8  }
0x1b: {  	s15 =	smulhi.u32 @!p1 $0x147AE15, s14  }
0x1c: {  	s16 =	smul.u32 @!p1 $0xC800, s10  }
0x1d: {  	s15 =	smul.u32 @!p1 $0xC8, s15  }
0x1e: {  	s17 =	sxor.u32 @!p1 $0xFFFFFFFF, s7;
	s18 =	smul.u32 @!p1 $0x1900, s9  }
0x1f: {  	s16 =	sadd.s32 @!p1 s2, s16;
	s14 =	ssub.s32 @!p1 s14, s15;
	s15 =	sshll.u32 @!p1 s8, $0x4  }
0x20: {  	s17 =	sshll.u32 @!p1 s17, $0xE;
	s16 =	sadd.s32 @!p1 s18, s16;
	s15 =	sand.u32 @!p1 $0x10, s15  }
0x21: {  	s17 =	sand.u32 @!p1 $0x4000, s17;
	s14 =	sshll.u32 @!p1 s14, $0x5;
	s15 =	sadd.s32 @!p1 s15, s16  }
0x22: {  	s16 =	simm.s32 @!p1 $0xC800;
	s14 =	sadd.s32 @!p1 s14, s15;
	s15 =	simm.s32 @!p1 $0x800  }
0x23: {  	[tilespmem:s17], [sflag:$0x1] =	stream.strided.gather @!p1 [hbm4b:s14+s15], $0x4000, s16, s15, $0x38;
	[tilespmem:$0x10000] =	vst v63  }
0x24: {  	p1 =	seq.s32 s7, $0x0  }
0x25: {  	p2 =	seq.s32 @!p1 s7, $0x1A  }
0x26: {  	p1 =	por p1, p2  }
.Ltmp2:
0x27: {  	_ = 	snop;
	(pc) =	sbr.rel @p1 .LBB1_7-.Ltmp2, $1  }
0x28: {  	_ =	sdelay $0x3  }
0x29: {  	s14 =	simm.s32 $0x1  }
0x2a: {  	_ =	swait.ge [sflag:s4], $0x4000;
	s31 =	sshll.u32 s7, $0xE;
	p1 =	por $0x0, $0x0  }
0x2b: {  	s20 =	simm.s32 $0x0;
	s21 =	simm.s32 $0x0;
	s14 =	simm.s32 @!p0 $0x0  }
0x2c: {  	[sflag:s4] =	ssyncset.done $0x0;
	s17 =	sand.u32 $0x4000, s31;
	s14 =	sshll.u32 s14, $0x10  }
0x2d: {  	[sflag:s4] =	ssyncadd.s32 $0xFFFFC000;
	s18 =	sshrl.u32 s14, $0x2;
	s14 =	sor.u32 $0x8000, s17  }
0x2e: {  	s15 =	sor.u32 $0x40, s18;
	s16 =	sor.u32 $0x8410, s18;
	s18 =	sadd.s32 $0x8400, s18  }
.LBB1_3:
0x2f: {  	v1 =	vld [tilespmem:s15+$0xFFFFFFD0]  }
0x30: {  	v2 =	vld [tilespmem:s15+$0x430]  }
0x31: {  	s22 =	sshll.u32 s21, $0xB;
	v4 =	vld [tilespmem:s15+$0xFFFFFFE0]  }
0x32: {  	v7 =	vld [tilespmem:s15+$0xFFFFFFF0];
	v0 =	vmov s22  }
0x33: {  	v8 =	vld [tilespmem:s15+$0x0]  }
0x34: {  	s30 =	sand.u32 $0x300, s19;
	v9 =	vld [tilespmem:s15+$0x10]  }
0x35: {  	s23 =	sand.u32 $0x80, s19;
	v10 =	vld [tilespmem:s15+$0x20];
	s22 =	sadd.s32 s30, s17  }
0x36: {  	v11 =	vld [tilespmem:s15+$0x30];
	s22 =	sadd.s32 s23, s22;
	s23 =	simm.s32 $0x1;
	[tilespmem:s16+$0x60] =	vst v2  }
0x37: {  	s31 =	sshll.u32 s20, $0x2;
	s23 =	simm.s32 @!p1 $0x0;
	[tilespmem:s16+$0xFFFFFC00] =	vst v1;
	v3 =	vld.idx.msk [tilespmem:v0+s22+$0x400 ss:$0x1], $0xffff  }
0x38: {  	v6 =	vld [tilespmem:s15+$0x3D0];
	s23 =	sshll.u32 s23, $0x9;
	[tilespmem:s16+$0xFFFFFC10] =	vst v4;
	s22 =	sand.u32 $0xFFFFFC00, s31  }
0x39: {  	v5 =	vld [tilespmem:s15+$0x3E0];
	[tilespmem:s16+$0xFFFFFC20] =	vst v7;
	s22 =	sor.u32 s23, s22  }
0x3a: {  	[tilespmem:s16+$0xFFFFFC30] =	vst v8;
	v4 =	vld [tilespmem:s15+$0x400];
	s22 =	sshrl.u32 s22, $0x2  }
0x3b: {  	[tilespmem:s16+$0xFFFFFC40] =	vst v9;
	v1 =	vld [tilespmem:s15+$0x410];
	s22 =	sadd.s32 s22, s18  }
0x3c: {  	[tilespmem:s22+$0x0] =	vst v3;
	v3 =	vld [tilespmem:s15+$0x3F0]  }
0x3d: {  	s26 =	simm.s32 $0x80;
	s25 =	simm.s32 $0x100;
	[tilespmem:s16+$0xFFFFFC50] =	vst v10;
	v2 =	vld [tilespmem:s15+$0x420]  }
0x3e: {  	s24 =	smov.u32 s16;
	s27 =	sand.u32 $0x300, s26;
	v7 =	vld [tilespmem:s15+$0xFFFFFFC0];
	[tilespmem:s16+$0xFFFFFC60] =	vst v11;
	s23 =	sadd.s32 $0x80, s15  }
.LBB1_4:
0x3f: {  	p2 =	sne.s32 s25, $0x380;
	v8 =	vld [tilespmem:s23+$0xFFFFFFD0];
	s26 =	sand.u32 $0x80, s26;
	s27 =	sadd.s32 s27, s17;
	[tilespmem:s24+$0x0] =	vst v6  }
0x40: {  	s27 =	sadd.s32 s26, s27;
	v6 =	vld [tilespmem:s23+$0x430];
	[tilespmem:s24+$0x10] =	vst v5;
	s26 =	smov.u32 s25  }
0x41: {  	v5 =	vld.idx.msk [tilespmem:v0+s27+$0x400 ss:$0x1], $0xffff;
	[tilespmem:s24+$0x20] =	vst v3  }
0x42: {  	v3 =	vld [tilespmem:s23+$0xFFFFFFE0];
	[tilespmem:s24+$0x30] =	vst v4  }
0x43: {  	v4 =	vld [tilespmem:s23+$0xFFFFFFF0];
	[tilespmem:s24+$0xFFFFFBF0] =	vst v7  }
0x44: {  	v7 =	vld [tilespmem:s23+$0x0];
	[tilespmem:s24+$0x40] =	vst v1  }
0x45: {  	v1 =	vld [tilespmem:s23+$0x10];
	[tilespmem:s24+$0x50] =	vst v2;
	s24 =	sadd.s32 $0x800, s24  }
0x46: {  	s22 =	sadd.s32 $0x800, s22;
	v2 =	vld [tilespmem:s23+$0x20];
	[tilespmem:s24+$0x60] =	vst v6  }
0x47: {  	v9 =	vld [tilespmem:s23+$0x30];
	[tilespmem:s22+$0x0] =	vst v5  }
0x48: {  	[tilespmem:s24+$0xFFFFFC00] =	vst v8;
	v6 =	vld [tilespmem:s23+$0x3D0]  }
0x49: {  	[tilespmem:s24+$0xFFFFFC10] =	vst v3;
	v5 =	vld [tilespmem:s23+$0x3E0]  }
.Ltmp3:
0x4a: {  	[tilespmem:s24+$0xFFFFFC20] =	vst v4;
	v3 =	vld [tilespmem:s23+$0x3F0];
	(pc) =	sbr.rel @p2 .LBB1_4-.Ltmp3, $4  }
0x4b: {  	[tilespmem:s24+$0xFFFFFC30] =	vst v7;
	v4 =	vld [tilespmem:s23+$0x400]  }
0x4c: {  	[tilespmem:s24+$0xFFFFFC40] =	vst v1;
	v1 =	vld [tilespmem:s23+$0x410]  }
0x4d: {  	[tilespmem:s24+$0xFFFFFC50] =	vst v2;
	v2 =	vld [tilespmem:s23+$0x420]  }
0x4e: {  	s25 =	sadd.s32 $0x80, s25;
	s27 =	sand.u32 $0x300, s26;
	v7 =	vld [tilespmem:s23+$0xFFFFFFC0];
	[tilespmem:s24+$0xFFFFFC60] =	vst v9;
	s23 =	sadd.s32 $0x80, s23  }
0x4f: {  	[tilespmem:s24+$0x0] =	vst v6  }
0x50: {  	[tilespmem:s24+$0x10] =	vst v5  }
0x51: {  	v49 =	vld [tilespmem:s23+$0x430];
	[tilespmem:s24+$0x20] =	vst v3  }
0x52: {  	v50 =	vld [tilespmem:s23+$0xFFFFFFD0];
	[tilespmem:s24+$0x30] =	vst v4  }
0x53: {  	v51 =	vld [tilespmem:s23+$0xFFFFFFE0];
	[tilespmem:s24+$0x40] =	vst v1  }
0x54: {  	v52 =	vld [tilespmem:s23+$0xFFFFFFF0];
	[tilespmem:s24+$0x50] =	vst v2  }
0x55: {  	s31 =	sadd.s32 $0x800, s24;
	v53 =	vld [tilespmem:s23+$0x0];
	[tilespmem:s24+$0xFFFFFBF0] =	vst v7  }
0x56: {  	v54 =	vld [tilespmem:s23+$0x10];
	[tilespmem:s31+$0x60] =	vst v49  }
0x57: {  	v55 =	vld [tilespmem:s23+$0x20];
	[tilespmem:s31+$0xFFFFFC00] =	vst v50  }
0x58: {  	v56 =	vld [tilespmem:s23+$0x30];
	[tilespmem:s31+$0xFFFFFC10] =	vst v51  }
0x59: {  	v57 =	vld [tilespmem:s23+$0x3D0];
	[tilespmem:s31+$0xFFFFFC20] =	vst v52  }
0x5a: {  	v58 =	vld [tilespmem:s23+$0x3E0];
	[tilespmem:s31+$0xFFFFFC30] =	vst v53  }
0x5b: {  	v59 =	vld [tilespmem:s23+$0x3F0];
	[tilespmem:s31+$0xFFFFFC40] =	vst v54  }
0x5c: {  	v60 =	vld [tilespmem:s23+$0x400];
	[tilespmem:s31+$0xFFFFFC50] =	vst v55  }
0x5d: {  	v61 =	vld [tilespmem:s23+$0xFFFFFFC0];
	[tilespmem:s31+$0xFFFFFC60] =	vst v56  }
0x5e: {  	s25 =	sand.u32 $0x80, s26;
	s30 =	sadd.s32 s27, s17;
	v62 =	vld [tilespmem:s23+$0x410];
	[tilespmem:s31+$0x0] =	vst v57  }
0x5f: {  	v63 =	vld [tilespmem:s23+$0x420];
	s21 =	sadd.s32 $0x1, s21;
	s25 =	sadd.s32 s25, s30;
	[tilespmem:s31+$0x10] =	vst v58  }
0x60: {  	p2 =	sne.s32 s21, $0x8;
	v0 =	vld.idx.msk [tilespmem:v0+s25+$0x400 ss:$0x1], $0xffff;
	[tilespmem:s31+$0x20] =	vst v59  }
.Ltmp4:
0x61: {  	[tilespmem:s31+$0x30] =	vst v60;
	(pc) =	sbr.rel @p2 .LBB1_3-.Ltmp4, $4  }
0x62: {  	[tilespmem:s31+$0xFFFFFBF0] =	vst v61  }
0x63: {  	[tilespmem:s31+$0x40] =	vst v62  }
0x64: {  	s22 =	sadd.s32 $0x800, s22;
	s15 =	sadd.s32 $0x800, s15;
	[tilespmem:s31+$0x50] =	vst v63  }
0x65: {  	s20 =	sadd.s32 $0x80, s20;
	p1 =	por !p1, !p1;
	s16 =	sadd.s32 $0x80, s16;
	[tilespmem:s22+$0x0] =	vst v0  }
0x66: {  	s13 =	smul.u32 $0xC800, s13  }
.Ltmp5:
0x67: {  	_ = 	snop;
	(pc) =	sbr.rel .LBB1_7-.Ltmp5, $4  }
0x68: {  	s11 =	sshll.u32 s11, $0x8;
	s12 =	sshll.u32 s12, $0x4;
	s13 =	sadd.s32 s3, s13  }
0x69: {  	s12 =	sand.u32 $0x70, s12;
	s11 =	sadd.s32 s11, s13  }
0x6a: {  	s11 =	sadd.s32 s12, s11  }
0x6b: {  	[hbm4b:s11+s6] =	stream.linear.scatter [tilespmem:s14], [sflag:$0x2], $0x4000, $0x38;
	[tilespmem:$0x10000] =	vst v63  }
.LBB1_8:
0x6c: {  	_ =	sfence.sel $0x180000  }
0x6d: {  	s2 =	simm.s32 $0x1;
	[bflag:$0x0] =	sbarrier.arrive $0xFFFF  }
0x6e: {  	s31 =	simm.s32 $0x2;
	[sflag:s2] =	ssyncpa.u1 $0x1  }
0x6f: {  	[sflag:s31] =	ssyncpa.u1 $0x1  }
0x70: {  	p0 =	sne.s32 s1, $0x0;
	_ =	strace $0x9000004A  }
0x71: {  	s0 =	sadd.s32 @!p0 $0x100000, s0;
	[bflag:$0x2] =	sbarrier.arrive $0xFFFF  }
0x72: {  	[sflag:s0] =	ssyncadd.tile.s32 @!p0 $0x1;
	_ =	shalt  }
.Lfunc_end1:
_tile_overlayer_lowered:
.L_overlay_start_2:
0x73: {  	(tag) =	ssettag $0x2  }
0x74: {  	s0 =	rddreg [dreg:$0x0];
	s2 =	stileid.u32  }
0x75: {  	s1 =	rddreg [dreg:$0x1];
	p0 =	sne.s32 s2, $0x0  }
0x76: {  	s3 =	rddreg [dreg:$0x2];
	[bflag:$0x3] =	sbarrier.arrive $0xFFFF;
	s2 =	simm.s32 @!p0 $0x1C01  }
0x77: {  	[timem:s3], [sflag:s2] =	dma.local @!p0 [hbm:s0], s1  }
0x78: {  	s0 =	simm.s32 @!p0 $0x1  }
0x79: {  	_ =	swait.ge @!p0 [sflag:s0], s1  }
0x7a: {  	s1 =	ssub.s32 @!p0 $0x0, s1;
	[sflag:s0] =	ssyncset.done @!p0 $0x0  }
0x7b: {  	[sflag:s0] =	ssyncadd.s32 @!p0 s1  }
0x7c: {  	[bflag:$0x3] =	sbarrier.arrive $0xFFFF  }
0x7d: {  	_ =	shalt  }

</sc_bundles>
